<compile_context>
chip_gen: v7x
topology: tpu7x:2x2x1
jax: 0.10.2.dev20260603
libtpu: 0.0.44.dev20260713+nightly
codegen_flags: <defaults>
</compile_context>

<pallas_src>
import functools

import jax
import jax.numpy as jnp
from jax import lax
from jax.experimental import pallas as pl
from jax.experimental.pallas import tpu as pltpu
from jax.experimental.pallas import tpu_sc as plsc

EMB_DIM = 32
N_VOCAB = 1000
NUM_CORES = 2
NUM_SUBCORES = 16
NUM_WORKERS = NUM_CORES * NUM_SUBCORES
LANES = 16
BLK = 128
BLK_PAD = BLK + 1
ROW_PAD = EMB_DIM + 1


@functools.lru_cache(maxsize=None)
def _make_tiled_gather(batch: int, seq: int):
    assert batch == NUM_WORKERS * BLK
    mesh = plsc.VectorSubcoreMesh(core_axis_name="c", subcore_axis_name="s")
    e_hi = EMB_DIM // 8

    @functools.partial(
        pl.kernel,
        mesh=mesh,
        compiler_params=pltpu.CompilerParams(use_tc_tiling_on_sc=False,
                                             needs_layout_passes=False),
        out_type=jax.ShapeDtypeStruct((seq, e_hi, NUM_WORKERS, 8, BLK),
                                      jnp.float32),
        scratch_types=[
            pltpu.VMEM((N_VOCAB, ROW_PAD), jnp.float32),
            pltpu.VMEM((seq, BLK), jnp.int32),
            pltpu.VMEM((EMB_DIM, BLK_PAD), jnp.float32),
            pltpu.VMEM((EMB_DIM, BLK_PAD), jnp.float32),
            pltpu.SemaphoreType.DMA,
            pltpu.SemaphoreType.DMA,
        ],
    )
    def gather_kernel(sent_hbm, table_hbm, out_hbm, table_v, idx_v,
                      buf0, buf1, sem0, sem1):
        wid = lax.axis_index("s") * NUM_CORES + lax.axis_index("c")
        pltpu.sync_copy(table_hbm, table_v.at[:, pl.ds(0, EMB_DIM)])
        pltpu.sync_copy(sent_hbm.at[:, pl.ds(wid * BLK, BLK)], idx_v)

        bufs = (buf0, buf1)
        sems = (sem0, sem1)

        e_lo16 = lax.iota(jnp.int32, 16)
        consts = []
        for h in range(EMB_DIM // LANES):
            e_vec = e_lo16 + LANES * h
            consts.append(e_vec)

        def compute(s, buf):
            @plsc.parallel_loop(0, BLK, unroll=4)
            def _b_body(b):
                idx16 = idx_v[s, pl.ds((b // LANES) * LANES, LANES)]
                lane_j = jnp.full((LANES,), b % LANES, jnp.int32)
                idx_b = idx16.at[lane_j].get(mode="promise_in_bounds")
                bvec = jnp.full((LANES,), b, jnp.int32)
                for h in range(EMB_DIM // LANES):
                    val = plsc.load_gather(table_v, [idx_b, consts[h]])
                    plsc.store_scatter(buf, [consts[h], bvec], val)

        def start_store(s, b):
            h = pltpu.async_copy(
                bufs[b].at[pl.ds(0, 8), pl.ds(0, BLK)],
                out_hbm.at[s, 0, wid], sems[b])
            for g in range(1, e_hi):
                h = pltpu.async_copy(
                    bufs[b].at[pl.ds(8 * g, 8), pl.ds(0, BLK)],
                    out_hbm.at[s, g, wid], sems[b])
            return h

        def wait_store(s, b):
            for g in range(e_hi):
                pltpu.make_async_copy(
                    bufs[b].at[pl.ds(8 * g, 8), pl.ds(0, BLK)],
                    out_hbm.at[s, g, wid], sems[b]).wait()

        for s in (0, 1):
            compute(s, bufs[s])
            start_store(s, s)

        def loop_body(i, carry):
            s = 2 * i
            for b in range(2):
                wait_store(s + b - 2, b)
                compute(s + b, bufs[b])
                start_store(s + b, b)
            return carry

        lax.fori_loop(1, seq // 2, loop_body, 0)
        wait_store(seq - 2, 0)
        wait_store(seq - 1, 1)

    return gather_kernel


def kernel(sentence, table):
    batch, seq = sentence.shape
    sent_t = sentence.T.astype(jnp.int32)
    out5 = _make_tiled_gather(batch, seq)(sent_t, table)
    x = out5.transpose(2, 4, 0, 1, 3)
    return x.reshape(batch, seq, EMB_DIM)

# --- scband reference (transcript-rebuilt; emitter-appended) ---
"""Pipeline reference for scband-char-model-18726057411265 (READ-ONLY COPY).

The authoritative reference and input builder live on the scoring server;
editing this copy changes nothing except your own understanding.
"""

import jax, jax.numpy as jnp
import numpy as np

N_CHARS = 1000
EMB_DIM = 32
PADDING_IDX = 0
BATCH = 4096
SEQ = 200

def setup_inputs(seed: int = 0) -> dict:
    key = jax.random.key(seed)
    k1, k2 = jax.random.split(key)
    sentence = jax.random.randint(k1, (BATCH, SEQ), 0, N_CHARS, dtype=jnp.int64) if jax.config.read('jax_enable_x64') else jax.random.randint(k1, (BATCH, SEQ), 0, N_CHARS, dtype=jnp.int32)
    table = jax.random.normal(k2, (N_CHARS, EMB_DIM), dtype=jnp.float32)
    # padding row is zero-initialized like nn.Embedding(padding_idx=...)
    table = table.at[PADDING_IDX].set(0.0)
    return {"sentence": sentence, "table": table}

def reference(sentence, table):
    # nn.Embedding lookup with padding_idx: padding row kept at zero
    table_eff = table.at[PADDING_IDX].set(0.0)
    embedded = jnp.take(table_eff, sentence, axis=0)
    # nn.Dropout in eval mode is identity
    # Base class has no concrete self.char_model; we return the embedded tensor
    return embedded

if __name__ == "__main__":
    import jax
    _d = setup_inputs()
    print(jax.jit(kernel)(*tuple(_d.values())))

</pallas_src>

<mosaic_0001>
#map = affine_map<(d0, d1) -> (0, 0)>
#map1 = affine_map<(d0, d1) -> (0, 0, 0, 0, 0)>
module attributes {stable_mosaic.version = 14 : i64} {
  func.func @gather_kernel(%arg0: i32, %arg1: i32, %arg2: memref<200x4096xi32, #tpu.memory_space<hbm>>, %arg3: memref<1000x32xf32, #tpu.memory_space<hbm>>, %arg4: memref<200x4x32x8x128xf32, #tpu.memory_space<hbm>>, %arg5: memref<1000x33xf32, #tpu.memory_space<vmem>>, %arg6: memref<200x128xi32, #tpu.memory_space<vmem>>, %arg7: memref<32x129xf32, #tpu.memory_space<vmem>>, %arg8: memref<32x129xf32, #tpu.memory_space<vmem>>, %arg9: memref<!tpu.dma_semaphore, #tpu.memory_space<semaphore_mem>>, %arg10: memref<!tpu.dma_semaphore, #tpu.memory_space<semaphore_mem>>) attributes {dimension_semantics = [#tpu.dimension_semantics<core_parallel>, #tpu.dimension_semantics<subcore_parallel>], iteration_bounds = array<i64: 2, 16>, scalar_prefetch = 0 : i64, scratch_operands = 6 : i64, tpu.core_type = #tpu.core_type<sc_vector_subcore>, window_params = [{transform_indices = #map}, {transform_indices = #map}, {transform_indices = #map1}]} {
    %mul3A = arith.constant 2 : i32
    %mul3A_0 = arith.muli %arg1, %mul3A : i32
    %add3A = arith.addi %mul3A_0, %arg0 : i32
    "tpu.region"() ({
      %run_scoped3A = tpu.sem_alloc : memref<!tpu.dma_semaphore, #tpu.memory_space<semaphore_mem>>
      %dma_start3A_273 = arith.constant 0 : i32
      %dma_start3A_274 = arith.constant 0 : i32
      %dma_start3A_275 = tpu.memref_slice %arg5[%dma_start3A_273, %dma_start3A_274] : memref<1000x33xf32, #tpu.memory_space<vmem>> -> memref<1000x32xf32, #tpu.memory_space<vmem>>
      %dma_start3A_276 = arith.constant 0 : i32
      %dma_start3A_277 = arith.constant 0 : i32
      %dma_start3A_278 = tpu.memref_slice %arg5[%dma_start3A_276, %dma_start3A_277] : memref<1000x33xf32, #tpu.memory_space<vmem>> -> memref<1000x32xf32, #tpu.memory_space<vmem>>
      tpu.enqueue_dma source(%arg3 : memref<1000x32xf32, #tpu.memory_space<hbm>>) target(%dma_start3A_278 : memref<1000x32xf32, #tpu.memory_space<vmem>>) target_semaphore(%run_scoped3A : memref<!tpu.dma_semaphore, #tpu.memory_space<semaphore_mem>>)
      %dma_wait3A_279 = arith.constant 0 : i32
      %dma_wait3A_280 = arith.constant 0 : i32
      %dma_wait3A_281 = tpu.memref_slice %arg5[%dma_wait3A_279, %dma_wait3A_280] : memref<1000x33xf32, #tpu.memory_space<vmem>> -> memref<1000x32xf32, #tpu.memory_space<vmem>>
      %dma_wait3A_282 = arith.constant 0 : i32
      %dma_wait3A_283 = arith.constant 0 : i32
      %dma_wait3A_284 = tpu.memref_slice %arg5[%dma_wait3A_282, %dma_wait3A_283] : memref<1000x33xf32, #tpu.memory_space<vmem>> -> memref<1000x32xf32, #tpu.memory_space<vmem>>
      tpu.wait_dma2 semaphore(%run_scoped3A : memref<!tpu.dma_semaphore, #tpu.memory_space<semaphore_mem>>) src(%arg3 : memref<1000x32xf32, #tpu.memory_space<hbm>>) dst(%dma_wait3A_284 : memref<1000x32xf32, #tpu.memory_space<vmem>>)
      tpu.yield
    }) : () -> ()
    %mul3A_1 = arith.constant 128 : i32
    %mul3A_2 = arith.muli %add3A, %mul3A_1 : i32
    "tpu.region"() ({
      %run_scoped3A = tpu.sem_alloc : memref<!tpu.dma_semaphore, #tpu.memory_space<semaphore_mem>>
      %dma_start3A_273 = arith.constant 0 : i32
      %dma_start3A_274 = tpu.memref_slice %arg2[%dma_start3A_273, %mul3A_2] : memref<200x4096xi32, #tpu.memory_space<hbm>> -> memref<200x128xi32, #tpu.memory_space<hbm>>
      %dma_start3A_275 = arith.constant 0 : i32
      %dma_start3A_276 = tpu.memref_slice %arg2[%dma_start3A_275, %mul3A_2] : memref<200x4096xi32, #tpu.memory_space<hbm>> -> memref<200x128xi32, #tpu.memory_space<hbm>>
      tpu.enqueue_dma source(%dma_start3A_276 : memref<200x128xi32, #tpu.memory_space<hbm>>) target(%arg6 : memref<200x128xi32, #tpu.memory_space<vmem>>) target_semaphore(%run_scoped3A : memref<!tpu.dma_semaphore, #tpu.memory_space<semaphore_mem>>)
      %dma_wait3A_277 = arith.constant 0 : i32
      %dma_wait3A_278 = tpu.memref_slice %arg2[%dma_wait3A_277, %mul3A_2] : memref<200x4096xi32, #tpu.memory_space<hbm>> -> memref<200x128xi32, #tpu.memory_space<hbm>>
      %dma_wait3A_279 = arith.constant 0 : i32
      %dma_wait3A_280 = tpu.memref_slice %arg2[%dma_wait3A_279, %mul3A_2] : memref<200x4096xi32, #tpu.memory_space<hbm>> -> memref<200x128xi32, #tpu.memory_space<hbm>>
      tpu.wait_dma2 semaphore(%run_scoped3A : memref<!tpu.dma_semaphore, #tpu.memory_space<semaphore_mem>>) src(%dma_wait3A_280 : memref<200x128xi32, #tpu.memory_space<hbm>>) dst(%arg6 : memref<200x128xi32, #tpu.memory_space<vmem>>)
      tpu.yield
    }) : () -> ()
    %iota3A = tpu.iota {dimensions = array<i32: 0>} : vector<16xi32>
    %add3A_3 = arith.constant 0 : i32
    %add3A_4 = vector.broadcast %add3A_3 : i32 to vector<16xi32>
    %add3A_5 = arith.addi %iota3A, %add3A_4 : vector<16xi32>
    %add3A_6 = arith.constant 16 : i32
    %add3A_7 = vector.broadcast %add3A_6 : i32 to vector<16xi32>
    %add3A_8 = arith.addi %iota3A, %add3A_7 : vector<16xi32>
    %parallel_loop3A = arith.constant 0 : i32
    %parallel_loop3A_9 = arith.constant 128 : i32
    %parallel_loop3A_10 = arith.constant 1 : i32
    scf.for %parallel_loop3A_273 = %parallel_loop3A to %parallel_loop3A_9 step %parallel_loop3A_10  : i32 {
      %parallel_loop3A_274 = arith.constant 16 : i32
      %parallel_loop3A_275 = arith.divsi %parallel_loop3A_273, %parallel_loop3A_274 : i32
      %parallel_loop3A_276 = arith.constant 0 : i32
      %parallel_loop3A_277 = arith.cmpi sgt, %parallel_loop3A_273, %parallel_loop3A_276 : i32
      %parallel_loop3A_278 = arith.extui %parallel_loop3A_277 : i1 to i32
      %parallel_loop3A_279 = arith.constant 0 : i32
      %parallel_loop3A_280 = arith.cmpi slt, %parallel_loop3A_273, %parallel_loop3A_279 : i32
      %parallel_loop3A_281 = arith.extui %parallel_loop3A_280 : i1 to i32
      %parallel_loop3A_282 = arith.subi %parallel_loop3A_278, %parallel_loop3A_281 : i32
      %parallel_loop3A_283 = arith.constant 0 : i32
      %parallel_loop3A_284 = arith.cmpi sgt, %parallel_loop3A_274, %parallel_loop3A_283 : i32
      %parallel_loop3A_285 = arith.extui %parallel_loop3A_284 : i1 to i32
      %parallel_loop3A_286 = arith.constant 0 : i32
      %parallel_loop3A_287 = arith.cmpi slt, %parallel_loop3A_274, %parallel_loop3A_286 : i32
      %parallel_loop3A_288 = arith.extui %parallel_loop3A_287 : i1 to i32
      %parallel_loop3A_289 = arith.subi %parallel_loop3A_285, %parallel_loop3A_288 : i32
      %parallel_loop3A_290 = arith.cmpi ne, %parallel_loop3A_282, %parallel_loop3A_289 : i32
      %parallel_loop3A_291 = arith.remsi %parallel_loop3A_273, %parallel_loop3A_274 : i32
      %parallel_loop3A_292 = arith.constant 0 : i32
      %parallel_loop3A_293 = arith.cmpi ne, %parallel_loop3A_291, %parallel_loop3A_292 : i32
      %parallel_loop3A_294 = arith.andi %parallel_loop3A_290, %parallel_loop3A_293 : i1
      %parallel_loop3A_295 = arith.constant 1 : i32
      %parallel_loop3A_296 = arith.subi %parallel_loop3A_275, %parallel_loop3A_295 : i32
      %parallel_loop3A_297 = arith.select %parallel_loop3A_294, %parallel_loop3A_296, %parallel_loop3A_275 : i32
      %parallel_loop3A_298 = arith.constant 16 : i32
      %parallel_loop3A_299 = arith.muli %parallel_loop3A_297, %parallel_loop3A_298 : i32
      %parallel_loop3A_300 = arith.constant 0 : i32
      %parallel_loop3A_301 = arith.index_cast %parallel_loop3A_300 : i32 to index
      %parallel_loop3A_302 = arith.index_cast %parallel_loop3A_299 : i32 to index
      %parallel_loop3A_303 = tpu.vector_load %arg6[%parallel_loop3A_301, %parallel_loop3A_302] {strides = array<i32>} : memref<200x128xi32, #tpu.memory_space<vmem>>, vector<16xi32>,
      %parallel_loop3A_304 = arith.constant 16 : i32
      %parallel_loop3A_305 = arith.constant 0 : i32
      %parallel_loop3A_306 = arith.cmpi eq, %parallel_loop3A_304, %parallel_loop3A_305 : i32
      %parallel_loop3A_307 = arith.constant 1 : i32
      %parallel_loop3A_308 = arith.select %parallel_loop3A_306, %parallel_loop3A_307, %parallel_loop3A_304 : i32
      %parallel_loop3A_309 = arith.remsi %parallel_loop3A_273, %parallel_loop3A_308 : i32
      %parallel_loop3A_310 = arith.constant 0 : i32
      %parallel_loop3A_311 = arith.cmpi ne, %parallel_loop3A_309, %parallel_loop3A_310 : i32
      %parallel_loop3A_312 = arith.constant 0 : i32
      %parallel_loop3A_313 = arith.cmpi slt, %parallel_loop3A_309, %parallel_loop3A_312 : i32
      %parallel_loop3A_314 = arith.constant 0 : i32
      %parallel_loop3A_315 = arith.cmpi slt, %parallel_loop3A_308, %parallel_loop3A_314 : i32
      %parallel_loop3A_316 = arith.xori %parallel_loop3A_313, %parallel_loop3A_315 : i1
      %parallel_loop3A_317 = arith.andi %parallel_loop3A_316, %parallel_loop3A_311 : i1
      %parallel_loop3A_318 = arith.addi %parallel_loop3A_309, %parallel_loop3A_308 : i32
      %parallel_loop3A_319 = arith.select %parallel_loop3A_317, %parallel_loop3A_318, %parallel_loop3A_309 : i32
      %parallel_loop3A_320 = vector.broadcast %parallel_loop3A_319 : i32 to vector<16xi32>
      %parallel_loop3A_321 = arith.constant 0 : i32
      %parallel_loop3A_322 = vector.broadcast %parallel_loop3A_321 : i32 to vector<16xi32>
      %parallel_loop3A_323 = arith.cmpi slt, %parallel_loop3A_320, %parallel_loop3A_322 : vector<16xi32>
      %parallel_loop3A_324 = arith.constant 16 : i32
      %parallel_loop3A_325 = vector.broadcast %parallel_loop3A_324 : i32 to vector<16xi32>
      %parallel_loop3A_326 = arith.addi %parallel_loop3A_320, %parallel_loop3A_325 : vector<16xi32>
      %parallel_loop3A_327 = arith.select %parallel_loop3A_323, %parallel_loop3A_326, %parallel_loop3A_320 : vector<16xi1>, vector<16xi32>
      %parallel_loop3A_328 = vector.shape_cast %parallel_loop3A_327 : vector<16xi32> to vector<16x1xi32>
      %parallel_loop3A_329 = vector.shape_cast %parallel_loop3A_328 : vector<16x1xi32> to vector<16xi32>
      %parallel_loop3A_330 = tpu.dynamic_gather %parallel_loop3A_303[%parallel_loop3A_329] in [0] : vector<16xi32>, vector<16xi32> -> vector<16xi32>
      %parallel_loop3A_331 = vector.broadcast %parallel_loop3A_273 : i32 to vector<16xi32>
      %parallel_loop3A_332 = tpu.vector_load_idx %arg5[%parallel_loop3A_330, %add3A_5] : memref<1000x33xf32, #tpu.memory_space<vmem>>[vector<16xi32>, vector<16xi32>], vector<16xf32>,
      tpu.vector_store_idx %arg7[%add3A_5, %parallel_loop3A_331], %parallel_loop3A_332 : memref<32x129xf32, #tpu.memory_space<vmem>>[vector<16xi32>, vector<16xi32>], vector<16xf32>,
      %parallel_loop3A_333 = tpu.vector_load_idx %arg5[%parallel_loop3A_330, %add3A_8] : memref<1000x33xf32, #tpu.memory_space<vmem>>[vector<16xi32>, vector<16xi32>], vector<16xf32>,
      tpu.vector_store_idx %arg7[%add3A_8, %parallel_loop3A_331], %parallel_loop3A_333 : memref<32x129xf32, #tpu.memory_space<vmem>>[vector<16xi32>, vector<16xi32>], vector<16xf32>,
    } {sc.loop_unroll_factor = 4 : i64, sc.parallel_access}
    %dma_start3A = arith.constant 0 : i32
    %dma_start3A_11 = arith.constant 0 : i32
    %dma_start3A_12 = arith.constant 0 : i32
    %dma_start3A_13 = arith.constant 0 : i32
    %dma_start3A_14 = tpu.memref_slice %arg7[%dma_start3A_12, %dma_start3A_13] : memref<32x129xf32, #tpu.memory_space<vmem>> -> memref<8x128xf32, #tpu.memory_space<vmem>>
    %dma_start3A_15 = arith.constant 0 : i32
    %dma_start3A_16 = arith.constant 0 : i32
    %dma_start3A_17 = tpu.memref_slice %arg4[%dma_start3A, %dma_start3A_11, %add3A, %dma_start3A_15, %dma_start3A_16] : memref<200x4x32x8x128xf32, #tpu.memory_space<hbm>> -> memref<1x1x1x8x128xf32, #tpu.memory_space<hbm>>
    %dma_start3A_18 = tpu.memref_squeeze %dma_start3A_17 : memref<1x1x1x8x128xf32, #tpu.memory_space<hbm>> -> memref<8x128xf32, #tpu.memory_space<hbm>>
    %dma_start3A_19 = arith.constant 0 : i32
    %dma_start3A_20 = arith.constant 0 : i32
    %dma_start3A_21 = tpu.memref_slice %arg4[%dma_start3A, %dma_start3A_11, %add3A, %dma_start3A_19, %dma_start3A_20] : memref<200x4x32x8x128xf32, #tpu.memory_space<hbm>> -> memref<1x1x1x8x128xf32, #tpu.memory_space<hbm>>
    %dma_start3A_22 = tpu.memref_squeeze %dma_start3A_21 : memref<1x1x1x8x128xf32, #tpu.memory_space<hbm>> -> memref<8x128xf32, #tpu.memory_space<hbm>>
    %dma_start3A_23 = arith.constant 0 : i32
    %dma_start3A_24 = arith.constant 0 : i32
    %dma_start3A_25 = tpu.memref_slice %arg7[%dma_start3A_23, %dma_start3A_24] : memref<32x129xf32, #tpu.memory_space<vmem>> -> memref<8x128xf32, #tpu.memory_space<vmem>>
    tpu.enqueue_dma source(%dma_start3A_25 : memref<8x128xf32, #tpu.memory_space<vmem>>) target(%dma_start3A_22 : memref<8x128xf32, #tpu.memory_space<hbm>>) target_semaphore(%arg9 : memref<!tpu.dma_semaphore, #tpu.memory_space<semaphore_mem>>)
    %dma_start3A_26 = arith.constant 0 : i32
    %dma_start3A_27 = arith.constant 1 : i32
    %dma_start3A_28 = arith.constant 8 : i32
    %dma_start3A_29 = arith.constant 0 : i32
    %dma_start3A_30 = tpu.memref_slice %arg7[%dma_start3A_28, %dma_start3A_29] : memref<32x129xf32, #tpu.memory_space<vmem>> -> memref<8x128xf32, #tpu.memory_space<vmem>>
    %dma_start3A_31 = arith.constant 0 : i32
    %dma_start3A_32 = arith.constant 0 : i32
    %dma_start3A_33 = tpu.memref_slice %arg4[%dma_start3A_26, %dma_start3A_27, %add3A, %dma_start3A_31, %dma_start3A_32] : memref<200x4x32x8x128xf32, #tpu.memory_space<hbm>> -> memref<1x1x1x8x128xf32, #tpu.memory_space<hbm>>
    %dma_start3A_34 = tpu.memref_squeeze %dma_start3A_33 : memref<1x1x1x8x128xf32, #tpu.memory_space<hbm>> -> memref<8x128xf32, #tpu.memory_space<hbm>>
    %dma_start3A_35 = arith.constant 0 : i32
    %dma_start3A_36 = arith.constant 0 : i32
    %dma_start3A_37 = tpu.memref_slice %arg4[%dma_start3A_26, %dma_start3A_27, %add3A, %dma_start3A_35, %dma_start3A_36] : memref<200x4x32x8x128xf32, #tpu.memory_space<hbm>> -> memref<1x1x1x8x128xf32, #tpu.memory_space<hbm>>
    %dma_start3A_38 = tpu.memref_squeeze %dma_start3A_37 : memref<1x1x1x8x128xf32, #tpu.memory_space<hbm>> -> memref<8x128xf32, #tpu.memory_space<hbm>>
    %dma_start3A_39 = arith.constant 8 : i32
    %dma_start3A_40 = arith.constant 0 : i32
    %dma_start3A_41 = tpu.memref_slice %arg7[%dma_start3A_39, %dma_start3A_40] : memref<32x129xf32, #tpu.memory_space<vmem>> -> memref<8x128xf32, #tpu.memory_space<vmem>>
    tpu.enqueue_dma source(%dma_start3A_41 : memref<8x128xf32, #tpu.memory_space<vmem>>) target(%dma_start3A_38 : memref<8x128xf32, #tpu.memory_space<hbm>>) target_semaphore(%arg9 : memref<!tpu.dma_semaphore, #tpu.memory_space<semaphore_mem>>)
    %dma_start3A_42 = arith.constant 0 : i32
    %dma_start3A_43 = arith.constant 2 : i32
    %dma_start3A_44 = arith.constant 16 : i32
    %dma_start3A_45 = arith.constant 0 : i32
    %dma_start3A_46 = tpu.memref_slice %arg7[%dma_start3A_44, %dma_start3A_45] : memref<32x129xf32, #tpu.memory_space<vmem>> -> memref<8x128xf32, #tpu.memory_space<vmem>>
    %dma_start3A_47 = arith.constant 0 : i32
    %dma_start3A_48 = arith.constant 0 : i32
    %dma_start3A_49 = tpu.memref_slice %arg4[%dma_start3A_42, %dma_start3A_43, %add3A, %dma_start3A_47, %dma_start3A_48] : memref<200x4x32x8x128xf32, #tpu.memory_space<hbm>> -> memref<1x1x1x8x128xf32, #tpu.memory_space<hbm>>
    %dma_start3A_50 = tpu.memref_squeeze %dma_start3A_49 : memref<1x1x1x8x128xf32, #tpu.memory_space<hbm>> -> memref<8x128xf32, #tpu.memory_space<hbm>>
    %dma_start3A_51 = arith.constant 0 : i32
    %dma_start3A_52 = arith.constant 0 : i32
    %dma_start3A_53 = tpu.memref_slice %arg4[%dma_start3A_42, %dma_start3A_43, %add3A, %dma_start3A_51, %dma_start3A_52] : memref<200x4x32x8x128xf32, #tpu.memory_space<hbm>> -> memref<1x1x1x8x128xf32, #tpu.memory_space<hbm>>
    %dma_start3A_54 = tpu.memref_squeeze %dma_start3A_53 : memref<1x1x1x8x128xf32, #tpu.memory_space<hbm>> -> memref<8x128xf32, #tpu.memory_space<hbm>>
    %dma_start3A_55 = arith.constant 16 : i32
    %dma_start3A_56 = arith.constant 0 : i32
    %dma_start3A_57 = tpu.memref_slice %arg7[%dma_start3A_55, %dma_start3A_56] : memref<32x129xf32, #tpu.memory_space<vmem>> -> memref<8x128xf32, #tpu.memory_space<vmem>>
    tpu.enqueue_dma source(%dma_start3A_57 : memref<8x128xf32, #tpu.memory_space<vmem>>) target(%dma_start3A_54 : memref<8x128xf32, #tpu.memory_space<hbm>>) target_semaphore(%arg9 : memref<!tpu.dma_semaphore, #tpu.memory_space<semaphore_mem>>)
    %dma_start3A_58 = arith.constant 0 : i32
    %dma_start3A_59 = arith.constant 3 : i32
    %dma_start3A_60 = arith.constant 24 : i32
    %dma_start3A_61 = arith.constant 0 : i32
    %dma_start3A_62 = tpu.memref_slice %arg7[%dma_start3A_60, %dma_start3A_61] : memref<32x129xf32, #tpu.memory_space<vmem>> -> memref<8x128xf32, #tpu.memory_space<vmem>>
    %dma_start3A_63 = arith.constant 0 : i32
    %dma_start3A_64 = arith.constant 0 : i32
    %dma_start3A_65 = tpu.memref_slice %arg4[%dma_start3A_58, %dma_start3A_59, %add3A, %dma_start3A_63, %dma_start3A_64] : memref<200x4x32x8x128xf32, #tpu.memory_space<hbm>> -> memref<1x1x1x8x128xf32, #tpu.memory_space<hbm>>
    %dma_start3A_66 = tpu.memref_squeeze %dma_start3A_65 : memref<1x1x1x8x128xf32, #tpu.memory_space<hbm>> -> memref<8x128xf32, #tpu.memory_space<hbm>>
    %dma_start3A_67 = arith.constant 0 : i32
    %dma_start3A_68 = arith.constant 0 : i32
    %dma_start3A_69 = tpu.memref_slice %arg4[%dma_start3A_58, %dma_start3A_59, %add3A, %dma_start3A_67, %dma_start3A_68] : memref<200x4x32x8x128xf32, #tpu.memory_space<hbm>> -> memref<1x1x1x8x128xf32, #tpu.memory_space<hbm>>
    %dma_start3A_70 = tpu.memref_squeeze %dma_start3A_69 : memref<1x1x1x8x128xf32, #tpu.memory_space<hbm>> -> memref<8x128xf32, #tpu.memory_space<hbm>>
    %dma_start3A_71 = arith.constant 24 : i32
    %dma_start3A_72 = arith.constant 0 : i32
    %dma_start3A_73 = tpu.memref_slice %arg7[%dma_start3A_71, %dma_start3A_72] : memref<32x129xf32, #tpu.memory_space<vmem>> -> memref<8x128xf32, #tpu.memory_space<vmem>>
    tpu.enqueue_dma source(%dma_start3A_73 : memref<8x128xf32, #tpu.memory_space<vmem>>) target(%dma_start3A_70 : memref<8x128xf32, #tpu.memory_space<hbm>>) target_semaphore(%arg9 : memref<!tpu.dma_semaphore, #tpu.memory_space<semaphore_mem>>)
    %parallel_loop3A_74 = arith.constant 0 : i32
    %parallel_loop3A_75 = arith.constant 128 : i32
    %parallel_loop3A_76 = arith.constant 1 : i32
    scf.for %parallel_loop3A_273 = %parallel_loop3A_74 to %parallel_loop3A_75 step %parallel_loop3A_76  : i32 {
      %parallel_loop3A_274 = arith.constant 16 : i32
      %parallel_loop3A_275 = arith.divsi %parallel_loop3A_273, %parallel_loop3A_274 : i32
      %parallel_loop3A_276 = arith.constant 0 : i32
      %parallel_loop3A_277 = arith.cmpi sgt, %parallel_loop3A_273, %parallel_loop3A_276 : i32
      %parallel_loop3A_278 = arith.extui %parallel_loop3A_277 : i1 to i32
      %parallel_loop3A_279 = arith.constant 0 : i32
      %parallel_loop3A_280 = arith.cmpi slt, %parallel_loop3A_273, %parallel_loop3A_279 : i32
      %parallel_loop3A_281 = arith.extui %parallel_loop3A_280 : i1 to i32
      %parallel_loop3A_282 = arith.subi %parallel_loop3A_278, %parallel_loop3A_281 : i32
      %parallel_loop3A_283 = arith.constant 0 : i32
      %parallel_loop3A_284 = arith.cmpi sgt, %parallel_loop3A_274, %parallel_loop3A_283 : i32
      %parallel_loop3A_285 = arith.extui %parallel_loop3A_284 : i1 to i32
      %parallel_loop3A_286 = arith.constant 0 : i32
      %parallel_loop3A_287 = arith.cmpi slt, %parallel_loop3A_274, %parallel_loop3A_286 : i32
      %parallel_loop3A_288 = arith.extui %parallel_loop3A_287 : i1 to i32
      %parallel_loop3A_289 = arith.subi %parallel_loop3A_285, %parallel_loop3A_288 : i32
      %parallel_loop3A_290 = arith.cmpi ne, %parallel_loop3A_282, %parallel_loop3A_289 : i32
      %parallel_loop3A_291 = arith.remsi %parallel_loop3A_273, %parallel_loop3A_274 : i32
      %parallel_loop3A_292 = arith.constant 0 : i32
      %parallel_loop3A_293 = arith.cmpi ne, %parallel_loop3A_291, %parallel_loop3A_292 : i32
      %parallel_loop3A_294 = arith.andi %parallel_loop3A_290, %parallel_loop3A_293 : i1
      %parallel_loop3A_295 = arith.constant 1 : i32
      %parallel_loop3A_296 = arith.subi %parallel_loop3A_275, %parallel_loop3A_295 : i32
      %parallel_loop3A_297 = arith.select %parallel_loop3A_294, %parallel_loop3A_296, %parallel_loop3A_275 : i32
      %parallel_loop3A_298 = arith.constant 16 : i32
      %parallel_loop3A_299 = arith.muli %parallel_loop3A_297, %parallel_loop3A_298 : i32
      %parallel_loop3A_300 = arith.constant 1 : i32
      %parallel_loop3A_301 = arith.index_cast %parallel_loop3A_300 : i32 to index
      %parallel_loop3A_302 = arith.index_cast %parallel_loop3A_299 : i32 to index
      %parallel_loop3A_303 = tpu.vector_load %arg6[%parallel_loop3A_301, %parallel_loop3A_302] {strides = array<i32>} : memref<200x128xi32, #tpu.memory_space<vmem>>, vector<16xi32>,
      %parallel_loop3A_304 = arith.constant 16 : i32
      %parallel_loop3A_305 = arith.constant 0 : i32
      %parallel_loop3A_306 = arith.cmpi eq, %parallel_loop3A_304, %parallel_loop3A_305 : i32
      %parallel_loop3A_307 = arith.constant 1 : i32
      %parallel_loop3A_308 = arith.select %parallel_loop3A_306, %parallel_loop3A_307, %parallel_loop3A_304 : i32
      %parallel_loop3A_309 = arith.remsi %parallel_loop3A_273, %parallel_loop3A_308 : i32
      %parallel_loop3A_310 = arith.constant 0 : i32
      %parallel_loop3A_311 = arith.cmpi ne, %parallel_loop3A_309, %parallel_loop3A_310 : i32
      %parallel_loop3A_312 = arith.constant 0 : i32
      %parallel_loop3A_313 = arith.cmpi slt, %parallel_loop3A_309, %parallel_loop3A_312 : i32
      %parallel_loop3A_314 = arith.constant 0 : i32
      %parallel_loop3A_315 = arith.cmpi slt, %parallel_loop3A_308, %parallel_loop3A_314 : i32
      %parallel_loop3A_316 = arith.xori %parallel_loop3A_313, %parallel_loop3A_315 : i1
      %parallel_loop3A_317 = arith.andi %parallel_loop3A_316, %parallel_loop3A_311 : i1
      %parallel_loop3A_318 = arith.addi %parallel_loop3A_309, %parallel_loop3A_308 : i32
      %parallel_loop3A_319 = arith.select %parallel_loop3A_317, %parallel_loop3A_318, %parallel_loop3A_309 : i32
      %parallel_loop3A_320 = vector.broadcast %parallel_loop3A_319 : i32 to vector<16xi32>
      %parallel_loop3A_321 = arith.constant 0 : i32
      %parallel_loop3A_322 = vector.broadcast %parallel_loop3A_321 : i32 to vector<16xi32>
      %parallel_loop3A_323 = arith.cmpi slt, %parallel_loop3A_320, %parallel_loop3A_322 : vector<16xi32>
      %parallel_loop3A_324 = arith.constant 16 : i32
      %parallel_loop3A_325 = vector.broadcast %parallel_loop3A_324 : i32 to vector<16xi32>
      %parallel_loop3A_326 = arith.addi %parallel_loop3A_320, %parallel_loop3A_325 : vector<16xi32>
      %parallel_loop3A_327 = arith.select %parallel_loop3A_323, %parallel_loop3A_326, %parallel_loop3A_320 : vector<16xi1>, vector<16xi32>
      %parallel_loop3A_328 = vector.shape_cast %parallel_loop3A_327 : vector<16xi32> to vector<16x1xi32>
      %parallel_loop3A_329 = vector.shape_cast %parallel_loop3A_328 : vector<16x1xi32> to vector<16xi32>
      %parallel_loop3A_330 = tpu.dynamic_gather %parallel_loop3A_303[%parallel_loop3A_329] in [0] : vector<16xi32>, vector<16xi32> -> vector<16xi32>
      %parallel_loop3A_331 = vector.broadcast %parallel_loop3A_273 : i32 to vector<16xi32>
      %parallel_loop3A_332 = tpu.vector_load_idx %arg5[%parallel_loop3A_330, %add3A_5] : memref<1000x33xf32, #tpu.memory_space<vmem>>[vector<16xi32>, vector<16xi32>], vector<16xf32>,
      tpu.vector_store_idx %arg8[%add3A_5, %parallel_loop3A_331], %parallel_loop3A_332 : memref<32x129xf32, #tpu.memory_space<vmem>>[vector<16xi32>, vector<16xi32>], vector<16xf32>,
      %parallel_loop3A_333 = tpu.vector_load_idx %arg5[%parallel_loop3A_330, %add3A_8] : memref<1000x33xf32, #tpu.memory_space<vmem>>[vector<16xi32>, vector<16xi32>], vector<16xf32>,
      tpu.vector_store_idx %arg8[%add3A_8, %parallel_loop3A_331], %parallel_loop3A_333 : memref<32x129xf32, #tpu.memory_space<vmem>>[vector<16xi32>, vector<16xi32>], vector<16xf32>,
    } {sc.loop_unroll_factor = 4 : i64, sc.parallel_access}
    %dma_start3A_77 = arith.constant 1 : i32
    %dma_start3A_78 = arith.constant 0 : i32
    %dma_start3A_79 = arith.constant 0 : i32
    %dma_start3A_80 = arith.constant 0 : i32
    %dma_start3A_81 = tpu.memref_slice %arg8[%dma_start3A_79, %dma_start3A_80] : memref<32x129xf32, #tpu.memory_space<vmem>> -> memref<8x128xf32, #tpu.memory_space<vmem>>
    %dma_start3A_82 = arith.constant 0 : i32
    %dma_start3A_83 = arith.constant 0 : i32
    %dma_start3A_84 = tpu.memref_slice %arg4[%dma_start3A_77, %dma_start3A_78, %add3A, %dma_start3A_82, %dma_start3A_83] : memref<200x4x32x8x128xf32, #tpu.memory_space<hbm>> -> memref<1x1x1x8x128xf32, #tpu.memory_space<hbm>>
    %dma_start3A_85 = tpu.memref_squeeze %dma_start3A_84 : memref<1x1x1x8x128xf32, #tpu.memory_space<hbm>> -> memref<8x128xf32, #tpu.memory_space<hbm>>
    %dma_start3A_86 = arith.constant 0 : i32
    %dma_start3A_87 = arith.constant 0 : i32
    %dma_start3A_88 = tpu.memref_slice %arg4[%dma_start3A_77, %dma_start3A_78, %add3A, %dma_start3A_86, %dma_start3A_87] : memref<200x4x32x8x128xf32, #tpu.memory_space<hbm>> -> memref<1x1x1x8x128xf32, #tpu.memory_space<hbm>>
    %dma_start3A_89 = tpu.memref_squeeze %dma_start3A_88 : memref<1x1x1x8x128xf32, #tpu.memory_space<hbm>> -> memref<8x128xf32, #tpu.memory_space<hbm>>
    %dma_start3A_90 = arith.constant 0 : i32
    %dma_start3A_91 = arith.constant 0 : i32
    %dma_start3A_92 = tpu.memref_slice %arg8[%dma_start3A_90, %dma_start3A_91] : memref<32x129xf32, #tpu.memory_space<vmem>> -> memref<8x128xf32, #tpu.memory_space<vmem>>
    tpu.enqueue_dma source(%dma_start3A_92 : memref<8x128xf32, #tpu.memory_space<vmem>>) target(%dma_start3A_89 : memref<8x128xf32, #tpu.memory_space<hbm>>) target_semaphore(%arg10 : memref<!tpu.dma_semaphore, #tpu.memory_space<semaphore_mem>>)
    %dma_start3A_93 = arith.constant 1 : i32
    %dma_start3A_94 = arith.constant 1 : i32
    %dma_start3A_95 = arith.constant 8 : i32
    %dma_start3A_96 = arith.constant 0 : i32
    %dma_start3A_97 = tpu.memref_slice %arg8[%dma_start3A_95, %dma_start3A_96] : memref<32x129xf32, #tpu.memory_space<vmem>> -> memref<8x128xf32, #tpu.memory_space<vmem>>
    %dma_start3A_98 = arith.constant 0 : i32
    %dma_start3A_99 = arith.constant 0 : i32
    %dma_start3A_100 = tpu.memref_slice %arg4[%dma_start3A_93, %dma_start3A_94, %add3A, %dma_start3A_98, %dma_start3A_99] : memref<200x4x32x8x128xf32, #tpu.memory_space<hbm>> -> memref<1x1x1x8x128xf32, #tpu.memory_space<hbm>>
    %dma_start3A_101 = tpu.memref_squeeze %dma_start3A_100 : memref<1x1x1x8x128xf32, #tpu.memory_space<hbm>> -> memref<8x128xf32, #tpu.memory_space<hbm>>
    %dma_start3A_102 = arith.constant 0 : i32
    %dma_start3A_103 = arith.constant 0 : i32
    %dma_start3A_104 = tpu.memref_slice %arg4[%dma_start3A_93, %dma_start3A_94, %add3A, %dma_start3A_102, %dma_start3A_103] : memref<200x4x32x8x128xf32, #tpu.memory_space<hbm>> -> memref<1x1x1x8x128xf32, #tpu.memory_space<hbm>>
    %dma_start3A_105 = tpu.memref_squeeze %dma_start3A_104 : memref<1x1x1x8x128xf32, #tpu.memory_space<hbm>> -> memref<8x128xf32, #tpu.memory_space<hbm>>
    %dma_start3A_106 = arith.constant 8 : i32
    %dma_start3A_107 = arith.constant 0 : i32
    %dma_start3A_108 = tpu.memref_slice %arg8[%dma_start3A_106, %dma_start3A_107] : memref<32x129xf32, #tpu.memory_space<vmem>> -> memref<8x128xf32, #tpu.memory_space<vmem>>
    tpu.enqueue_dma source(%dma_start3A_108 : memref<8x128xf32, #tpu.memory_space<vmem>>) target(%dma_start3A_105 : memref<8x128xf32, #tpu.memory_space<hbm>>) target_semaphore(%arg10 : memref<!tpu.dma_semaphore, #tpu.memory_space<semaphore_mem>>)
    %dma_start3A_109 = arith.constant 1 : i32
    %dma_start3A_110 = arith.constant 2 : i32
    %dma_start3A_111 = arith.constant 16 : i32
    %dma_start3A_112 = arith.constant 0 : i32
    %dma_start3A_113 = tpu.memref_slice %arg8[%dma_start3A_111, %dma_start3A_112] : memref<32x129xf32, #tpu.memory_space<vmem>> -> memref<8x128xf32, #tpu.memory_space<vmem>>
    %dma_start3A_114 = arith.constant 0 : i32
    %dma_start3A_115 = arith.constant 0 : i32
    %dma_start3A_116 = tpu.memref_slice %arg4[%dma_start3A_109, %dma_start3A_110, %add3A, %dma_start3A_114, %dma_start3A_115] : memref<200x4x32x8x128xf32, #tpu.memory_space<hbm>> -> memref<1x1x1x8x128xf32, #tpu.memory_space<hbm>>
    %dma_start3A_117 = tpu.memref_squeeze %dma_start3A_116 : memref<1x1x1x8x128xf32, #tpu.memory_space<hbm>> -> memref<8x128xf32, #tpu.memory_space<hbm>>
    %dma_start3A_118 = arith.constant 0 : i32
    %dma_start3A_119 = arith.constant 0 : i32
    %dma_start3A_120 = tpu.memref_slice %arg4[%dma_start3A_109, %dma_start3A_110, %add3A, %dma_start3A_118, %dma_start3A_119] : memref<200x4x32x8x128xf32, #tpu.memory_space<hbm>> -> memref<1x1x1x8x128xf32, #tpu.memory_space<hbm>>
    %dma_start3A_121 = tpu.memref_squeeze %dma_start3A_120 : memref<1x1x1x8x128xf32, #tpu.memory_space<hbm>> -> memref<8x128xf32, #tpu.memory_space<hbm>>
    %dma_start3A_122 = arith.constant 16 : i32
    %dma_start3A_123 = arith.constant 0 : i32
    %dma_start3A_124 = tpu.memref_slice %arg8[%dma_start3A_122, %dma_start3A_123] : memref<32x129xf32, #tpu.memory_space<vmem>> -> memref<8x128xf32, #tpu.memory_space<vmem>>
    tpu.enqueue_dma source(%dma_start3A_124 : memref<8x128xf32, #tpu.memory_space<vmem>>) target(%dma_start3A_121 : memref<8x128xf32, #tpu.memory_space<hbm>>) target_semaphore(%arg10 : memref<!tpu.dma_semaphore, #tpu.memory_space<semaphore_mem>>)
    %dma_start3A_125 = arith.constant 1 : i32
    %dma_start3A_126 = arith.constant 3 : i32
    %dma_start3A_127 = arith.constant 24 : i32
    %dma_start3A_128 = arith.constant 0 : i32
    %dma_start3A_129 = tpu.memref_slice %arg8[%dma_start3A_127, %dma_start3A_128] : memref<32x129xf32, #tpu.memory_space<vmem>> -> memref<8x128xf32, #tpu.memory_space<vmem>>
    %dma_start3A_130 = arith.constant 0 : i32
    %dma_start3A_131 = arith.constant 0 : i32
    %dma_start3A_132 = tpu.memref_slice %arg4[%dma_start3A_125, %dma_start3A_126, %add3A, %dma_start3A_130, %dma_start3A_131] : memref<200x4x32x8x128xf32, #tpu.memory_space<hbm>> -> memref<1x1x1x8x128xf32, #tpu.memory_space<hbm>>
    %dma_start3A_133 = tpu.memref_squeeze %dma_start3A_132 : memref<1x1x1x8x128xf32, #tpu.memory_space<hbm>> -> memref<8x128xf32, #tpu.memory_space<hbm>>
    %dma_start3A_134 = arith.constant 0 : i32
    %dma_start3A_135 = arith.constant 0 : i32
    %dma_start3A_136 = tpu.memref_slice %arg4[%dma_start3A_125, %dma_start3A_126, %add3A, %dma_start3A_134, %dma_start3A_135] : memref<200x4x32x8x128xf32, #tpu.memory_space<hbm>> -> memref<1x1x1x8x128xf32, #tpu.memory_space<hbm>>
    %dma_start3A_137 = tpu.memref_squeeze %dma_start3A_136 : memref<1x1x1x8x128xf32, #tpu.memory_space<hbm>> -> memref<8x128xf32, #tpu.memory_space<hbm>>
    %dma_start3A_138 = arith.constant 24 : i32
    %dma_start3A_139 = arith.constant 0 : i32
    %dma_start3A_140 = tpu.memref_slice %arg8[%dma_start3A_138, %dma_start3A_139] : memref<32x129xf32, #tpu.memory_space<vmem>> -> memref<8x128xf32, #tpu.memory_space<vmem>>
    tpu.enqueue_dma source(%dma_start3A_140 : memref<8x128xf32, #tpu.memory_space<vmem>>) target(%dma_start3A_137 : memref<8x128xf32, #tpu.memory_space<hbm>>) target_semaphore(%arg10 : memref<!tpu.dma_semaphore, #tpu.memory_space<semaphore_mem>>)
    %scan3A = arith.constant 0 : i32
    %scan3A_141 = arith.constant 1 : i32
    %scan3A_142 = arith.constant 99 : i32
    %scan3A_143 = arith.addi %scan3A_141, %scan3A_142 : i32
    %scan3A_144 = arith.constant 1 : i32
    scf.for %scan3A_273 = %scan3A_141 to %scan3A_143 step %scan3A_144  : i32 {
      %mul3A_274 = arith.constant 2 : i32
      %mul3A_275 = arith.muli %mul3A_274, %scan3A_273 : i32
      %add3A_276 = arith.constant 0 : i32
      %add3A_277 = arith.addi %mul3A_275, %add3A_276 : i32
      %sub3A = arith.constant 2 : i32
      %sub3A_278 = arith.subi %add3A_277, %sub3A : i32
      %dma_wait3A_279 = arith.constant 0 : i32
      %dma_wait3A_280 = arith.constant 0 : i32
      %dma_wait3A_281 = arith.constant 0 : i32
      %dma_wait3A_282 = tpu.memref_slice %arg7[%dma_wait3A_280, %dma_wait3A_281] : memref<32x129xf32, #tpu.memory_space<vmem>> -> memref<8x128xf32, #tpu.memory_space<vmem>>
      %dma_wait3A_283 = arith.constant 0 : i32
      %dma_wait3A_284 = arith.constant 0 : i32
      %dma_wait3A_285 = tpu.memref_slice %arg4[%sub3A_278, %dma_wait3A_279, %add3A, %dma_wait3A_283, %dma_wait3A_284] : memref<200x4x32x8x128xf32, #tpu.memory_space<hbm>> -> memref<1x1x1x8x128xf32, #tpu.memory_space<hbm>>
      %dma_wait3A_286 = tpu.memref_squeeze %dma_wait3A_285 : memref<1x1x1x8x128xf32, #tpu.memory_space<hbm>> -> memref<8x128xf32, #tpu.memory_space<hbm>>
      %dma_wait3A_287 = arith.constant 0 : i32
      %dma_wait3A_288 = arith.constant 0 : i32
      %dma_wait3A_289 = tpu.memref_slice %arg4[%sub3A_278, %dma_wait3A_279, %add3A, %dma_wait3A_287, %dma_wait3A_288] : memref<200x4x32x8x128xf32, #tpu.memory_space<hbm>> -> memref<1x1x1x8x128xf32, #tpu.memory_space<hbm>>
      %dma_wait3A_290 = tpu.memref_squeeze %dma_wait3A_289 : memref<1x1x1x8x128xf32, #tpu.memory_space<hbm>> -> memref<8x128xf32, #tpu.memory_space<hbm>>
      %dma_wait3A_291 = arith.constant 0 : i32
      %dma_wait3A_292 = arith.constant 0 : i32
      %dma_wait3A_293 = tpu.memref_slice %arg7[%dma_wait3A_291, %dma_wait3A_292] : memref<32x129xf32, #tpu.memory_space<vmem>> -> memref<8x128xf32, #tpu.memory_space<vmem>>
      tpu.wait_dma2 semaphore(%arg9 : memref<!tpu.dma_semaphore, #tpu.memory_space<semaphore_mem>>) src(%dma_wait3A_293 : memref<8x128xf32, #tpu.memory_space<vmem>>) dst(%dma_wait3A_290 : memref<8x128xf32, #tpu.memory_space<hbm>>)
      %dma_wait3A_294 = arith.constant 1 : i32
      %dma_wait3A_295 = arith.constant 8 : i32
      %dma_wait3A_296 = arith.constant 0 : i32
      %dma_wait3A_297 = tpu.memref_slice %arg7[%dma_wait3A_295, %dma_wait3A_296] : memref<32x129xf32, #tpu.memory_space<vmem>> -> memref<8x128xf32, #tpu.memory_space<vmem>>
      %dma_wait3A_298 = arith.constant 0 : i32
      %dma_wait3A_299 = arith.constant 0 : i32
      %dma_wait3A_300 = tpu.memref_slice %arg4[%sub3A_278, %dma_wait3A_294, %add3A, %dma_wait3A_298, %dma_wait3A_299] : memref<200x4x32x8x128xf32, #tpu.memory_space<hbm>> -> memref<1x1x1x8x128xf32, #tpu.memory_space<hbm>>
      %dma_wait3A_301 = tpu.memref_squeeze %dma_wait3A_300 : memref<1x1x1x8x128xf32, #tpu.memory_space<hbm>> -> memref<8x128xf32, #tpu.memory_space<hbm>>
      %dma_wait3A_302 = arith.constant 0 : i32
      %dma_wait3A_303 = arith.constant 0 : i32
      %dma_wait3A_304 = tpu.memref_slice %arg4[%sub3A_278, %dma_wait3A_294, %add3A, %dma_wait3A_302, %dma_wait3A_303] : memref<200x4x32x8x128xf32, #tpu.memory_space<hbm>> -> memref<1x1x1x8x128xf32, #tpu.memory_space<hbm>>
      %dma_wait3A_305 = tpu.memref_squeeze %dma_wait3A_304 : memref<1x1x1x8x128xf32, #tpu.memory_space<hbm>> -> memref<8x128xf32, #tpu.memory_space<hbm>>
      %dma_wait3A_306 = arith.constant 8 : i32
      %dma_wait3A_307 = arith.constant 0 : i32
      %dma_wait3A_308 = tpu.memref_slice %arg7[%dma_wait3A_306, %dma_wait3A_307] : memref<32x129xf32, #tpu.memory_space<vmem>> -> memref<8x128xf32, #tpu.memory_space<vmem>>
      tpu.wait_dma2 semaphore(%arg9 : memref<!tpu.dma_semaphore, #tpu.memory_space<semaphore_mem>>) src(%dma_wait3A_308 : memref<8x128xf32, #tpu.memory_space<vmem>>) dst(%dma_wait3A_305 : memref<8x128xf32, #tpu.memory_space<hbm>>)
      %dma_wait3A_309 = arith.constant 2 : i32
      %dma_wait3A_310 = arith.constant 16 : i32
      %dma_wait3A_311 = arith.constant 0 : i32
      %dma_wait3A_312 = tpu.memref_slice %arg7[%dma_wait3A_310, %dma_wait3A_311] : memref<32x129xf32, #tpu.memory_space<vmem>> -> memref<8x128xf32, #tpu.memory_space<vmem>>
      %dma_wait3A_313 = arith.constant 0 : i32
      %dma_wait3A_314 = arith.constant 0 : i32
      %dma_wait3A_315 = tpu.memref_slice %arg4[%sub3A_278, %dma_wait3A_309, %add3A, %dma_wait3A_313, %dma_wait3A_314] : memref<200x4x32x8x128xf32, #tpu.memory_space<hbm>> -> memref<1x1x1x8x128xf32, #tpu.memory_space<hbm>>
      %dma_wait3A_316 = tpu.memref_squeeze %dma_wait3A_315 : memref<1x1x1x8x128xf32, #tpu.memory_space<hbm>> -> memref<8x128xf32, #tpu.memory_space<hbm>>
      %dma_wait3A_317 = arith.constant 0 : i32
      %dma_wait3A_318 = arith.constant 0 : i32
      %dma_wait3A_319 = tpu.memref_slice %arg4[%sub3A_278, %dma_wait3A_309, %add3A, %dma_wait3A_317, %dma_wait3A_318] : memref<200x4x32x8x128xf32, #tpu.memory_space<hbm>> -> memref<1x1x1x8x128xf32, #tpu.memory_space<hbm>>
      %dma_wait3A_320 = tpu.memref_squeeze %dma_wait3A_319 : memref<1x1x1x8x128xf32, #tpu.memory_space<hbm>> -> memref<8x128xf32, #tpu.memory_space<hbm>>
      %dma_wait3A_321 = arith.constant 16 : i32
      %dma_wait3A_322 = arith.constant 0 : i32
      %dma_wait3A_323 = tpu.memref_slice %arg7[%dma_wait3A_321, %dma_wait3A_322] : memref<32x129xf32, #tpu.memory_space<vmem>> -> memref<8x128xf32, #tpu.memory_space<vmem>>
      tpu.wait_dma2 semaphore(%arg9 : memref<!tpu.dma_semaphore, #tpu.memory_space<semaphore_mem>>) src(%dma_wait3A_323 : memref<8x128xf32, #tpu.memory_space<vmem>>) dst(%dma_wait3A_320 : memref<8x128xf32, #tpu.memory_space<hbm>>)
      %dma_wait3A_324 = arith.constant 3 : i32
      %dma_wait3A_325 = arith.constant 24 : i32
      %dma_wait3A_326 = arith.constant 0 : i32
      %dma_wait3A_327 = tpu.memref_slice %arg7[%dma_wait3A_325, %dma_wait3A_326] : memref<32x129xf32, #tpu.memory_space<vmem>> -> memref<8x128xf32, #tpu.memory_space<vmem>>
      %dma_wait3A_328 = arith.constant 0 : i32
      %dma_wait3A_329 = arith.constant 0 : i32
      %dma_wait3A_330 = tpu.memref_slice %arg4[%sub3A_278, %dma_wait3A_324, %add3A, %dma_wait3A_328, %dma_wait3A_329] : memref<200x4x32x8x128xf32, #tpu.memory_space<hbm>> -> memref<1x1x1x8x128xf32, #tpu.memory_space<hbm>>
      %dma_wait3A_331 = tpu.memref_squeeze %dma_wait3A_330 : memref<1x1x1x8x128xf32, #tpu.memory_space<hbm>> -> memref<8x128xf32, #tpu.memory_space<hbm>>
      %dma_wait3A_332 = arith.constant 0 : i32
      %dma_wait3A_333 = arith.constant 0 : i32
      %dma_wait3A_334 = tpu.memref_slice %arg4[%sub3A_278, %dma_wait3A_324, %add3A, %dma_wait3A_332, %dma_wait3A_333] : memref<200x4x32x8x128xf32, #tpu.memory_space<hbm>> -> memref<1x1x1x8x128xf32, #tpu.memory_space<hbm>>
      %dma_wait3A_335 = tpu.memref_squeeze %dma_wait3A_334 : memref<1x1x1x8x128xf32, #tpu.memory_space<hbm>> -> memref<8x128xf32, #tpu.memory_space<hbm>>
      %dma_wait3A_336 = arith.constant 24 : i32
      %dma_wait3A_337 = arith.constant 0 : i32
      %dma_wait3A_338 = tpu.memref_slice %arg7[%dma_wait3A_336, %dma_wait3A_337] : memref<32x129xf32, #tpu.memory_space<vmem>> -> memref<8x128xf32, #tpu.memory_space<vmem>>
      tpu.wait_dma2 semaphore(%arg9 : memref<!tpu.dma_semaphore, #tpu.memory_space<semaphore_mem>>) src(%dma_wait3A_338 : memref<8x128xf32, #tpu.memory_space<vmem>>) dst(%dma_wait3A_335 : memref<8x128xf32, #tpu.memory_space<hbm>>)
      %add3A_339 = arith.constant 0 : i32
      %add3A_340 = arith.addi %mul3A_275, %add3A_339 : i32
      %parallel_loop3A_341 = arith.constant 0 : i32
      %parallel_loop3A_342 = arith.constant 128 : i32
      %parallel_loop3A_343 = arith.constant 1 : i32
      scf.for %parallel_loop3A_537 = %parallel_loop3A_341 to %parallel_loop3A_342 step %parallel_loop3A_343  : i32 {
        %parallel_loop3A_538 = arith.constant 16 : i32
        %parallel_loop3A_539 = arith.divsi %parallel_loop3A_537, %parallel_loop3A_538 : i32
        %parallel_loop3A_540 = arith.constant 0 : i32
        %parallel_loop3A_541 = arith.cmpi sgt, %parallel_loop3A_537, %parallel_loop3A_540 : i32
        %parallel_loop3A_542 = arith.extui %parallel_loop3A_541 : i1 to i32
        %parallel_loop3A_543 = arith.constant 0 : i32
        %parallel_loop3A_544 = arith.cmpi slt, %parallel_loop3A_537, %parallel_loop3A_543 : i32
        %parallel_loop3A_545 = arith.extui %parallel_loop3A_544 : i1 to i32
        %parallel_loop3A_546 = arith.subi %parallel_loop3A_542, %parallel_loop3A_545 : i32
        %parallel_loop3A_547 = arith.constant 0 : i32
        %parallel_loop3A_548 = arith.cmpi sgt, %parallel_loop3A_538, %parallel_loop3A_547 : i32
        %parallel_loop3A_549 = arith.extui %parallel_loop3A_548 : i1 to i32
        %parallel_loop3A_550 = arith.constant 0 : i32
        %parallel_loop3A_551 = arith.cmpi slt, %parallel_loop3A_538, %parallel_loop3A_550 : i32
        %parallel_loop3A_552 = arith.extui %parallel_loop3A_551 : i1 to i32
        %parallel_loop3A_553 = arith.subi %parallel_loop3A_549, %parallel_loop3A_552 : i32
        %parallel_loop3A_554 = arith.cmpi ne, %parallel_loop3A_546, %parallel_loop3A_553 : i32
        %parallel_loop3A_555 = arith.remsi %parallel_loop3A_537, %parallel_loop3A_538 : i32
        %parallel_loop3A_556 = arith.constant 0 : i32
        %parallel_loop3A_557 = arith.cmpi ne, %parallel_loop3A_555, %parallel_loop3A_556 : i32
        %parallel_loop3A_558 = arith.andi %parallel_loop3A_554, %parallel_loop3A_557 : i1
        %parallel_loop3A_559 = arith.constant 1 : i32
        %parallel_loop3A_560 = arith.subi %parallel_loop3A_539, %parallel_loop3A_559 : i32
        %parallel_loop3A_561 = arith.select %parallel_loop3A_558, %parallel_loop3A_560, %parallel_loop3A_539 : i32
        %parallel_loop3A_562 = arith.constant 16 : i32
        %parallel_loop3A_563 = arith.muli %parallel_loop3A_561, %parallel_loop3A_562 : i32
        %parallel_loop3A_564 = arith.index_cast %add3A_340 : i32 to index
        %parallel_loop3A_565 = arith.index_cast %parallel_loop3A_563 : i32 to index
        %parallel_loop3A_566 = tpu.vector_load %arg6[%parallel_loop3A_564, %parallel_loop3A_565] {strides = array<i32>} : memref<200x128xi32, #tpu.memory_space<vmem>>, vector<16xi32>,
        %parallel_loop3A_567 = arith.constant 16 : i32
        %parallel_loop3A_568 = arith.constant 0 : i32
        %parallel_loop3A_569 = arith.cmpi eq, %parallel_loop3A_567, %parallel_loop3A_568 : i32
        %parallel_loop3A_570 = arith.constant 1 : i32
        %parallel_loop3A_571 = arith.select %parallel_loop3A_569, %parallel_loop3A_570, %parallel_loop3A_567 : i32
        %parallel_loop3A_572 = arith.remsi %parallel_loop3A_537, %parallel_loop3A_571 : i32
        %parallel_loop3A_573 = arith.constant 0 : i32
        %parallel_loop3A_574 = arith.cmpi ne, %parallel_loop3A_572, %parallel_loop3A_573 : i32
        %parallel_loop3A_575 = arith.constant 0 : i32
        %parallel_loop3A_576 = arith.cmpi slt, %parallel_loop3A_572, %parallel_loop3A_575 : i32
        %parallel_loop3A_577 = arith.constant 0 : i32
        %parallel_loop3A_578 = arith.cmpi slt, %parallel_loop3A_571, %parallel_loop3A_577 : i32
        %parallel_loop3A_579 = arith.xori %parallel_loop3A_576, %parallel_loop3A_578 : i1
        %parallel_loop3A_580 = arith.andi %parallel_loop3A_579, %parallel_loop3A_574 : i1
        %parallel_loop3A_581 = arith.addi %parallel_loop3A_572, %parallel_loop3A_571 : i32
        %parallel_loop3A_582 = arith.select %parallel_loop3A_580, %parallel_loop3A_581, %parallel_loop3A_572 : i32
        %parallel_loop3A_583 = vector.broadcast %parallel_loop3A_582 : i32 to vector<16xi32>
        %parallel_loop3A_584 = arith.constant 0 : i32
        %parallel_loop3A_585 = vector.broadcast %parallel_loop3A_584 : i32 to vector<16xi32>
        %parallel_loop3A_586 = arith.cmpi slt, %parallel_loop3A_583, %parallel_loop3A_585 : vector<16xi32>
        %parallel_loop3A_587 = arith.constant 16 : i32
        %parallel_loop3A_588 = vector.broadcast %parallel_loop3A_587 : i32 to vector<16xi32>
        %parallel_loop3A_589 = arith.addi %parallel_loop3A_583, %parallel_loop3A_588 : vector<16xi32>
        %parallel_loop3A_590 = arith.select %parallel_loop3A_586, %parallel_loop3A_589, %parallel_loop3A_583 : vector<16xi1>, vector<16xi32>
        %parallel_loop3A_591 = vector.shape_cast %parallel_loop3A_590 : vector<16xi32> to vector<16x1xi32>
        %parallel_loop3A_592 = vector.shape_cast %parallel_loop3A_591 : vector<16x1xi32> to vector<16xi32>
        %parallel_loop3A_593 = tpu.dynamic_gather %parallel_loop3A_566[%parallel_loop3A_592] in [0] : vector<16xi32>, vector<16xi32> -> vector<16xi32>
        %parallel_loop3A_594 = vector.broadcast %parallel_loop3A_537 : i32 to vector<16xi32>
        %parallel_loop3A_595 = tpu.vector_load_idx %arg5[%parallel_loop3A_593, %add3A_5] : memref<1000x33xf32, #tpu.memory_space<vmem>>[vector<16xi32>, vector<16xi32>], vector<16xf32>,
        tpu.vector_store_idx %arg7[%add3A_5, %parallel_loop3A_594], %parallel_loop3A_595 : memref<32x129xf32, #tpu.memory_space<vmem>>[vector<16xi32>, vector<16xi32>], vector<16xf32>,
        %parallel_loop3A_596 = tpu.vector_load_idx %arg5[%parallel_loop3A_593, %add3A_8] : memref<1000x33xf32, #tpu.memory_space<vmem>>[vector<16xi32>, vector<16xi32>], vector<16xf32>,
        tpu.vector_store_idx %arg7[%add3A_8, %parallel_loop3A_594], %parallel_loop3A_596 : memref<32x129xf32, #tpu.memory_space<vmem>>[vector<16xi32>, vector<16xi32>], vector<16xf32>,
      } {sc.loop_unroll_factor = 4 : i64, sc.parallel_access}
      %add3A_344 = arith.constant 0 : i32
      %add3A_345 = arith.addi %mul3A_275, %add3A_344 : i32
      %dma_start3A_346 = arith.constant 0 : i32
      %dma_start3A_347 = arith.constant 0 : i32
      %dma_start3A_348 = arith.constant 0 : i32
      %dma_start3A_349 = tpu.memref_slice %arg7[%dma_start3A_347, %dma_start3A_348] : memref<32x129xf32, #tpu.memory_space<vmem>> -> memref<8x128xf32, #tpu.memory_space<vmem>>
      %dma_start3A_350 = arith.constant 0 : i32
      %dma_start3A_351 = arith.constant 0 : i32
      %dma_start3A_352 = tpu.memref_slice %arg4[%add3A_345, %dma_start3A_346, %add3A, %dma_start3A_350, %dma_start3A_351] : memref<200x4x32x8x128xf32, #tpu.memory_space<hbm>> -> memref<1x1x1x8x128xf32, #tpu.memory_space<hbm>>
      %dma_start3A_353 = tpu.memref_squeeze %dma_start3A_352 : memref<1x1x1x8x128xf32, #tpu.memory_space<hbm>> -> memref<8x128xf32, #tpu.memory_space<hbm>>
      %dma_start3A_354 = arith.constant 0 : i32
      %dma_start3A_355 = arith.constant 0 : i32
      %dma_start3A_356 = tpu.memref_slice %arg4[%add3A_345, %dma_start3A_346, %add3A, %dma_start3A_354, %dma_start3A_355] : memref<200x4x32x8x128xf32, #tpu.memory_space<hbm>> -> memref<1x1x1x8x128xf32, #tpu.memory_space<hbm>>
      %dma_start3A_357 = tpu.memref_squeeze %dma_start3A_356 : memref<1x1x1x8x128xf32, #tpu.memory_space<hbm>> -> memref<8x128xf32, #tpu.memory_space<hbm>>
      %dma_start3A_358 = arith.constant 0 : i32
      %dma_start3A_359 = arith.constant 0 : i32
      %dma_start3A_360 = tpu.memref_slice %arg7[%dma_start3A_358, %dma_start3A_359] : memref<32x129xf32, #tpu.memory_space<vmem>> -> memref<8x128xf32, #tpu.memory_space<vmem>>
      tpu.enqueue_dma source(%dma_start3A_360 : memref<8x128xf32, #tpu.memory_space<vmem>>) target(%dma_start3A_357 : memref<8x128xf32, #tpu.memory_space<hbm>>) target_semaphore(%arg9 : memref<!tpu.dma_semaphore, #tpu.memory_space<semaphore_mem>>)
      %dma_start3A_361 = arith.constant 1 : i32
      %dma_start3A_362 = arith.constant 8 : i32
      %dma_start3A_363 = arith.constant 0 : i32
      %dma_start3A_364 = tpu.memref_slice %arg7[%dma_start3A_362, %dma_start3A_363] : memref<32x129xf32, #tpu.memory_space<vmem>> -> memref<8x128xf32, #tpu.memory_space<vmem>>
      %dma_start3A_365 = arith.constant 0 : i32
      %dma_start3A_366 = arith.constant 0 : i32
      %dma_start3A_367 = tpu.memref_slice %arg4[%add3A_345, %dma_start3A_361, %add3A, %dma_start3A_365, %dma_start3A_366] : memref<200x4x32x8x128xf32, #tpu.memory_space<hbm>> -> memref<1x1x1x8x128xf32, #tpu.memory_space<hbm>>
      %dma_start3A_368 = tpu.memref_squeeze %dma_start3A_367 : memref<1x1x1x8x128xf32, #tpu.memory_space<hbm>> -> memref<8x128xf32, #tpu.memory_space<hbm>>
      %dma_start3A_369 = arith.constant 0 : i32
      %dma_start3A_370 = arith.constant 0 : i32
      %dma_start3A_371 = tpu.memref_slice %arg4[%add3A_345, %dma_start3A_361, %add3A, %dma_start3A_369, %dma_start3A_370] : memref<200x4x32x8x128xf32, #tpu.memory_space<hbm>> -> memref<1x1x1x8x128xf32, #tpu.memory_space<hbm>>
      %dma_start3A_372 = tpu.memref_squeeze %dma_start3A_371 : memref<1x1x1x8x128xf32, #tpu.memory_space<hbm>> -> memref<8x128xf32, #tpu.memory_space<hbm>>
      %dma_start3A_373 = arith.constant 8 : i32
      %dma_start3A_374 = arith.constant 0 : i32
      %dma_start3A_375 = tpu.memref_slice %arg7[%dma_start3A_373, %dma_start3A_374] : memref<32x129xf32, #tpu.memory_space<vmem>> -> memref<8x128xf32, #tpu.memory_space<vmem>>
      tpu.enqueue_dma source(%dma_start3A_375 : memref<8x128xf32, #tpu.memory_space<vmem>>) target(%dma_start3A_372 : memref<8x128xf32, #tpu.memory_space<hbm>>) target_semaphore(%arg9 : memref<!tpu.dma_semaphore, #tpu.memory_space<semaphore_mem>>)
      %dma_start3A_376 = arith.constant 2 : i32
      %dma_start3A_377 = arith.constant 16 : i32
      %dma_start3A_378 = arith.constant 0 : i32
      %dma_start3A_379 = tpu.memref_slice %arg7[%dma_start3A_377, %dma_start3A_378] : memref<32x129xf32, #tpu.memory_space<vmem>> -> memref<8x128xf32, #tpu.memory_space<vmem>>
      %dma_start3A_380 = arith.constant 0 : i32
      %dma_start3A_381 = arith.constant 0 : i32
      %dma_start3A_382 = tpu.memref_slice %arg4[%add3A_345, %dma_start3A_376, %add3A, %dma_start3A_380, %dma_start3A_381] : memref<200x4x32x8x128xf32, #tpu.memory_space<hbm>> -> memref<1x1x1x8x128xf32, #tpu.memory_space<hbm>>
      %dma_start3A_383 = tpu.memref_squeeze %dma_start3A_382 : memref<1x1x1x8x128xf32, #tpu.memory_space<hbm>> -> memref<8x128xf32, #tpu.memory_space<hbm>>
      %dma_start3A_384 = arith.constant 0 : i32
      %dma_start3A_385 = arith.constant 0 : i32
      %dma_start3A_386 = tpu.memref_slice %arg4[%add3A_345, %dma_start3A_376, %add3A, %dma_start3A_384, %dma_start3A_385] : memref<200x4x32x8x128xf32, #tpu.memory_space<hbm>> -> memref<1x1x1x8x128xf32, #tpu.memory_space<hbm>>
      %dma_start3A_387 = tpu.memref_squeeze %dma_start3A_386 : memref<1x1x1x8x128xf32, #tpu.memory_space<hbm>> -> memref<8x128xf32, #tpu.memory_space<hbm>>
      %dma_start3A_388 = arith.constant 16 : i32
      %dma_start3A_389 = arith.constant 0 : i32
      %dma_start3A_390 = tpu.memref_slice %arg7[%dma_start3A_388, %dma_start3A_389] : memref<32x129xf32, #tpu.memory_space<vmem>> -> memref<8x128xf32, #tpu.memory_space<vmem>>
      tpu.enqueue_dma source(%dma_start3A_390 : memref<8x128xf32, #tpu.memory_space<vmem>>) target(%dma_start3A_387 : memref<8x128xf32, #tpu.memory_space<hbm>>) target_semaphore(%arg9 : memref<!tpu.dma_semaphore, #tpu.memory_space<semaphore_mem>>)
      %dma_start3A_391 = arith.constant 3 : i32
      %dma_start3A_392 = arith.constant 24 : i32
      %dma_start3A_393 = arith.constant 0 : i32
      %dma_start3A_394 = tpu.memref_slice %arg7[%dma_start3A_392, %dma_start3A_393] : memref<32x129xf32, #tpu.memory_space<vmem>> -> memref<8x128xf32, #tpu.memory_space<vmem>>
      %dma_start3A_395 = arith.constant 0 : i32
      %dma_start3A_396 = arith.constant 0 : i32
      %dma_start3A_397 = tpu.memref_slice %arg4[%add3A_345, %dma_start3A_391, %add3A, %dma_start3A_395, %dma_start3A_396] : memref<200x4x32x8x128xf32, #tpu.memory_space<hbm>> -> memref<1x1x1x8x128xf32, #tpu.memory_space<hbm>>
      %dma_start3A_398 = tpu.memref_squeeze %dma_start3A_397 : memref<1x1x1x8x128xf32, #tpu.memory_space<hbm>> -> memref<8x128xf32, #tpu.memory_space<hbm>>
      %dma_start3A_399 = arith.constant 0 : i32
      %dma_start3A_400 = arith.constant 0 : i32
      %dma_start3A_401 = tpu.memref_slice %arg4[%add3A_345, %dma_start3A_391, %add3A, %dma_start3A_399, %dma_start3A_400] : memref<200x4x32x8x128xf32, #tpu.memory_space<hbm>> -> memref<1x1x1x8x128xf32, #tpu.memory_space<hbm>>
      %dma_start3A_402 = tpu.memref_squeeze %dma_start3A_401 : memref<1x1x1x8x128xf32, #tpu.memory_space<hbm>> -> memref<8x128xf32, #tpu.memory_space<hbm>>
      %dma_start3A_403 = arith.constant 24 : i32
      %dma_start3A_404 = arith.constant 0 : i32
      %dma_start3A_405 = tpu.memref_slice %arg7[%dma_start3A_403, %dma_start3A_404] : memref<32x129xf32, #tpu.memory_space<vmem>> -> memref<8x128xf32, #tpu.memory_space<vmem>>
      tpu.enqueue_dma source(%dma_start3A_405 : memref<8x128xf32, #tpu.memory_space<vmem>>) target(%dma_start3A_402 : memref<8x128xf32, #tpu.memory_space<hbm>>) target_semaphore(%arg9 : memref<!tpu.dma_semaphore, #tpu.memory_space<semaphore_mem>>)
      %add3A_406 = arith.constant 1 : i32
      %add3A_407 = arith.addi %mul3A_275, %add3A_406 : i32
      %sub3A_408 = arith.constant 2 : i32
      %sub3A_409 = arith.subi %add3A_407, %sub3A_408 : i32
      %dma_wait3A_410 = arith.constant 0 : i32
      %dma_wait3A_411 = arith.constant 0 : i32
      %dma_wait3A_412 = arith.constant 0 : i32
      %dma_wait3A_413 = tpu.memref_slice %arg8[%dma_wait3A_411, %dma_wait3A_412] : memref<32x129xf32, #tpu.memory_space<vmem>> -> memref<8x128xf32, #tpu.memory_space<vmem>>
      %dma_wait3A_414 = arith.constant 0 : i32
      %dma_wait3A_415 = arith.constant 0 : i32
      %dma_wait3A_416 = tpu.memref_slice %arg4[%sub3A_409, %dma_wait3A_410, %add3A, %dma_wait3A_414, %dma_wait3A_415] : memref<200x4x32x8x128xf32, #tpu.memory_space<hbm>> -> memref<1x1x1x8x128xf32, #tpu.memory_space<hbm>>
      %dma_wait3A_417 = tpu.memref_squeeze %dma_wait3A_416 : memref<1x1x1x8x128xf32, #tpu.memory_space<hbm>> -> memref<8x128xf32, #tpu.memory_space<hbm>>
      %dma_wait3A_418 = arith.constant 0 : i32
      %dma_wait3A_419 = arith.constant 0 : i32
      %dma_wait3A_420 = tpu.memref_slice %arg4[%sub3A_409, %dma_wait3A_410, %add3A, %dma_wait3A_418, %dma_wait3A_419] : memref<200x4x32x8x128xf32, #tpu.memory_space<hbm>> -> memref<1x1x1x8x128xf32, #tpu.memory_space<hbm>>
      %dma_wait3A_421 = tpu.memref_squeeze %dma_wait3A_420 : memref<1x1x1x8x128xf32, #tpu.memory_space<hbm>> -> memref<8x128xf32, #tpu.memory_space<hbm>>
      %dma_wait3A_422 = arith.constant 0 : i32
      %dma_wait3A_423 = arith.constant 0 : i32
      %dma_wait3A_424 = tpu.memref_slice %arg8[%dma_wait3A_422, %dma_wait3A_423] : memref<32x129xf32, #tpu.memory_space<vmem>> -> memref<8x128xf32, #tpu.memory_space<vmem>>
      tpu.wait_dma2 semaphore(%arg10 : memref<!tpu.dma_semaphore, #tpu.memory_space<semaphore_mem>>) src(%dma_wait3A_424 : memref<8x128xf32, #tpu.memory_space<vmem>>) dst(%dma_wait3A_421 : memref<8x128xf32, #tpu.memory_space<hbm>>)
      %dma_wait3A_425 = arith.constant 1 : i32
      %dma_wait3A_426 = arith.constant 8 : i32
      %dma_wait3A_427 = arith.constant 0 : i32
      %dma_wait3A_428 = tpu.memref_slice %arg8[%dma_wait3A_426, %dma_wait3A_427] : memref<32x129xf32, #tpu.memory_space<vmem>> -> memref<8x128xf32, #tpu.memory_space<vmem>>
      %dma_wait3A_429 = arith.constant 0 : i32
      %dma_wait3A_430 = arith.constant 0 : i32
      %dma_wait3A_431 = tpu.memref_slice %arg4[%sub3A_409, %dma_wait3A_425, %add3A, %dma_wait3A_429, %dma_wait3A_430] : memref<200x4x32x8x128xf32, #tpu.memory_space<hbm>> -> memref<1x1x1x8x128xf32, #tpu.memory_space<hbm>>
      %dma_wait3A_432 = tpu.memref_squeeze %dma_wait3A_431 : memref<1x1x1x8x128xf32, #tpu.memory_space<hbm>> -> memref<8x128xf32, #tpu.memory_space<hbm>>
      %dma_wait3A_433 = arith.constant 0 : i32
      %dma_wait3A_434 = arith.constant 0 : i32
      %dma_wait3A_435 = tpu.memref_slice %arg4[%sub3A_409, %dma_wait3A_425, %add3A, %dma_wait3A_433, %dma_wait3A_434] : memref<200x4x32x8x128xf32, #tpu.memory_space<hbm>> -> memref<1x1x1x8x128xf32, #tpu.memory_space<hbm>>
      %dma_wait3A_436 = tpu.memref_squeeze %dma_wait3A_435 : memref<1x1x1x8x128xf32, #tpu.memory_space<hbm>> -> memref<8x128xf32, #tpu.memory_space<hbm>>
      %dma_wait3A_437 = arith.constant 8 : i32
      %dma_wait3A_438 = arith.constant 0 : i32
      %dma_wait3A_439 = tpu.memref_slice %arg8[%dma_wait3A_437, %dma_wait3A_438] : memref<32x129xf32, #tpu.memory_space<vmem>> -> memref<8x128xf32, #tpu.memory_space<vmem>>
      tpu.wait_dma2 semaphore(%arg10 : memref<!tpu.dma_semaphore, #tpu.memory_space<semaphore_mem>>) src(%dma_wait3A_439 : memref<8x128xf32, #tpu.memory_space<vmem>>) dst(%dma_wait3A_436 : memref<8x128xf32, #tpu.memory_space<hbm>>)
      %dma_wait3A_440 = arith.constant 2 : i32
      %dma_wait3A_441 = arith.constant 16 : i32
      %dma_wait3A_442 = arith.constant 0 : i32
      %dma_wait3A_443 = tpu.memref_slice %arg8[%dma_wait3A_441, %dma_wait3A_442] : memref<32x129xf32, #tpu.memory_space<vmem>> -> memref<8x128xf32, #tpu.memory_space<vmem>>
      %dma_wait3A_444 = arith.constant 0 : i32
      %dma_wait3A_445 = arith.constant 0 : i32
      %dma_wait3A_446 = tpu.memref_slice %arg4[%sub3A_409, %dma_wait3A_440, %add3A, %dma_wait3A_444, %dma_wait3A_445] : memref<200x4x32x8x128xf32, #tpu.memory_space<hbm>> -> memref<1x1x1x8x128xf32, #tpu.memory_space<hbm>>
      %dma_wait3A_447 = tpu.memref_squeeze %dma_wait3A_446 : memref<1x1x1x8x128xf32, #tpu.memory_space<hbm>> -> memref<8x128xf32, #tpu.memory_space<hbm>>
      %dma_wait3A_448 = arith.constant 0 : i32
      %dma_wait3A_449 = arith.constant 0 : i32
      %dma_wait3A_450 = tpu.memref_slice %arg4[%sub3A_409, %dma_wait3A_440, %add3A, %dma_wait3A_448, %dma_wait3A_449] : memref<200x4x32x8x128xf32, #tpu.memory_space<hbm>> -> memref<1x1x1x8x128xf32, #tpu.memory_space<hbm>>
      %dma_wait3A_451 = tpu.memref_squeeze %dma_wait3A_450 : memref<1x1x1x8x128xf32, #tpu.memory_space<hbm>> -> memref<8x128xf32, #tpu.memory_space<hbm>>
      %dma_wait3A_452 = arith.constant 16 : i32
      %dma_wait3A_453 = arith.constant 0 : i32
      %dma_wait3A_454 = tpu.memref_slice %arg8[%dma_wait3A_452, %dma_wait3A_453] : memref<32x129xf32, #tpu.memory_space<vmem>> -> memref<8x128xf32, #tpu.memory_space<vmem>>
      tpu.wait_dma2 semaphore(%arg10 : memref<!tpu.dma_semaphore, #tpu.memory_space<semaphore_mem>>) src(%dma_wait3A_454 : memref<8x128xf32, #tpu.memory_space<vmem>>) dst(%dma_wait3A_451 : memref<8x128xf32, #tpu.memory_space<hbm>>)
      %dma_wait3A_455 = arith.constant 3 : i32
      %dma_wait3A_456 = arith.constant 24 : i32
      %dma_wait3A_457 = arith.constant 0 : i32
      %dma_wait3A_458 = tpu.memref_slice %arg8[%dma_wait3A_456, %dma_wait3A_457] : memref<32x129xf32, #tpu.memory_space<vmem>> -> memref<8x128xf32, #tpu.memory_space<vmem>>
      %dma_wait3A_459 = arith.constant 0 : i32
      %dma_wait3A_460 = arith.constant 0 : i32
      %dma_wait3A_461 = tpu.memref_slice %arg4[%sub3A_409, %dma_wait3A_455, %add3A, %dma_wait3A_459, %dma_wait3A_460] : memref<200x4x32x8x128xf32, #tpu.memory_space<hbm>> -> memref<1x1x1x8x128xf32, #tpu.memory_space<hbm>>
      %dma_wait3A_462 = tpu.memref_squeeze %dma_wait3A_461 : memref<1x1x1x8x128xf32, #tpu.memory_space<hbm>> -> memref<8x128xf32, #tpu.memory_space<hbm>>
      %dma_wait3A_463 = arith.constant 0 : i32
      %dma_wait3A_464 = arith.constant 0 : i32
      %dma_wait3A_465 = tpu.memref_slice %arg4[%sub3A_409, %dma_wait3A_455, %add3A, %dma_wait3A_463, %dma_wait3A_464] : memref<200x4x32x8x128xf32, #tpu.memory_space<hbm>> -> memref<1x1x1x8x128xf32, #tpu.memory_space<hbm>>
      %dma_wait3A_466 = tpu.memref_squeeze %dma_wait3A_465 : memref<1x1x1x8x128xf32, #tpu.memory_space<hbm>> -> memref<8x128xf32, #tpu.memory_space<hbm>>
      %dma_wait3A_467 = arith.constant 24 : i32
      %dma_wait3A_468 = arith.constant 0 : i32
      %dma_wait3A_469 = tpu.memref_slice %arg8[%dma_wait3A_467, %dma_wait3A_468] : memref<32x129xf32, #tpu.memory_space<vmem>> -> memref<8x128xf32, #tpu.memory_space<vmem>>
      tpu.wait_dma2 semaphore(%arg10 : memref<!tpu.dma_semaphore, #tpu.memory_space<semaphore_mem>>) src(%dma_wait3A_469 : memref<8x128xf32, #tpu.memory_space<vmem>>) dst(%dma_wait3A_466 : memref<8x128xf32, #tpu.memory_space<hbm>>)
      %add3A_470 = arith.constant 1 : i32
      %add3A_471 = arith.addi %mul3A_275, %add3A_470 : i32
      %parallel_loop3A_472 = arith.constant 0 : i32
      %parallel_loop3A_473 = arith.constant 128 : i32
      %parallel_loop3A_474 = arith.constant 1 : i32
      scf.for %parallel_loop3A_537 = %parallel_loop3A_472 to %parallel_loop3A_473 step %parallel_loop3A_474  : i32 {
        %parallel_loop3A_538 = arith.constant 16 : i32
        %parallel_loop3A_539 = arith.divsi %parallel_loop3A_537, %parallel_loop3A_538 : i32
        %parallel_loop3A_540 = arith.constant 0 : i32
        %parallel_loop3A_541 = arith.cmpi sgt, %parallel_loop3A_537, %parallel_loop3A_540 : i32
        %parallel_loop3A_542 = arith.extui %parallel_loop3A_541 : i1 to i32
        %parallel_loop3A_543 = arith.constant 0 : i32
        %parallel_loop3A_544 = arith.cmpi slt, %parallel_loop3A_537, %parallel_loop3A_543 : i32
        %parallel_loop3A_545 = arith.extui %parallel_loop3A_544 : i1 to i32
        %parallel_loop3A_546 = arith.subi %parallel_loop3A_542, %parallel_loop3A_545 : i32
        %parallel_loop3A_547 = arith.constant 0 : i32
        %parallel_loop3A_548 = arith.cmpi sgt, %parallel_loop3A_538, %parallel_loop3A_547 : i32
        %parallel_loop3A_549 = arith.extui %parallel_loop3A_548 : i1 to i32
        %parallel_loop3A_550 = arith.constant 0 : i32
        %parallel_loop3A_551 = arith.cmpi slt, %parallel_loop3A_538, %parallel_loop3A_550 : i32
        %parallel_loop3A_552 = arith.extui %parallel_loop3A_551 : i1 to i32
        %parallel_loop3A_553 = arith.subi %parallel_loop3A_549, %parallel_loop3A_552 : i32
        %parallel_loop3A_554 = arith.cmpi ne, %parallel_loop3A_546, %parallel_loop3A_553 : i32
        %parallel_loop3A_555 = arith.remsi %parallel_loop3A_537, %parallel_loop3A_538 : i32
        %parallel_loop3A_556 = arith.constant 0 : i32
        %parallel_loop3A_557 = arith.cmpi ne, %parallel_loop3A_555, %parallel_loop3A_556 : i32
        %parallel_loop3A_558 = arith.andi %parallel_loop3A_554, %parallel_loop3A_557 : i1
        %parallel_loop3A_559 = arith.constant 1 : i32
        %parallel_loop3A_560 = arith.subi %parallel_loop3A_539, %parallel_loop3A_559 : i32
        %parallel_loop3A_561 = arith.select %parallel_loop3A_558, %parallel_loop3A_560, %parallel_loop3A_539 : i32
        %parallel_loop3A_562 = arith.constant 16 : i32
        %parallel_loop3A_563 = arith.muli %parallel_loop3A_561, %parallel_loop3A_562 : i32
        %parallel_loop3A_564 = arith.index_cast %add3A_471 : i32 to index
        %parallel_loop3A_565 = arith.index_cast %parallel_loop3A_563 : i32 to index
        %parallel_loop3A_566 = tpu.vector_load %arg6[%parallel_loop3A_564, %parallel_loop3A_565] {strides = array<i32>} : memref<200x128xi32, #tpu.memory_space<vmem>>, vector<16xi32>,
        %parallel_loop3A_567 = arith.constant 16 : i32
        %parallel_loop3A_568 = arith.constant 0 : i32
        %parallel_loop3A_569 = arith.cmpi eq, %parallel_loop3A_567, %parallel_loop3A_568 : i32
        %parallel_loop3A_570 = arith.constant 1 : i32
        %parallel_loop3A_571 = arith.select %parallel_loop3A_569, %parallel_loop3A_570, %parallel_loop3A_567 : i32
        %parallel_loop3A_572 = arith.remsi %parallel_loop3A_537, %parallel_loop3A_571 : i32
        %parallel_loop3A_573 = arith.constant 0 : i32
        %parallel_loop3A_574 = arith.cmpi ne, %parallel_loop3A_572, %parallel_loop3A_573 : i32
        %parallel_loop3A_575 = arith.constant 0 : i32
        %parallel_loop3A_576 = arith.cmpi slt, %parallel_loop3A_572, %parallel_loop3A_575 : i32
        %parallel_loop3A_577 = arith.constant 0 : i32
        %parallel_loop3A_578 = arith.cmpi slt, %parallel_loop3A_571, %parallel_loop3A_577 : i32
        %parallel_loop3A_579 = arith.xori %parallel_loop3A_576, %parallel_loop3A_578 : i1
        %parallel_loop3A_580 = arith.andi %parallel_loop3A_579, %parallel_loop3A_574 : i1
        %parallel_loop3A_581 = arith.addi %parallel_loop3A_572, %parallel_loop3A_571 : i32
        %parallel_loop3A_582 = arith.select %parallel_loop3A_580, %parallel_loop3A_581, %parallel_loop3A_572 : i32
        %parallel_loop3A_583 = vector.broadcast %parallel_loop3A_582 : i32 to vector<16xi32>
        %parallel_loop3A_584 = arith.constant 0 : i32
        %parallel_loop3A_585 = vector.broadcast %parallel_loop3A_584 : i32 to vector<16xi32>
        %parallel_loop3A_586 = arith.cmpi slt, %parallel_loop3A_583, %parallel_loop3A_585 : vector<16xi32>
        %parallel_loop3A_587 = arith.constant 16 : i32
        %parallel_loop3A_588 = vector.broadcast %parallel_loop3A_587 : i32 to vector<16xi32>
        %parallel_loop3A_589 = arith.addi %parallel_loop3A_583, %parallel_loop3A_588 : vector<16xi32>
        %parallel_loop3A_590 = arith.select %parallel_loop3A_586, %parallel_loop3A_589, %parallel_loop3A_583 : vector<16xi1>, vector<16xi32>
        %parallel_loop3A_591 = vector.shape_cast %parallel_loop3A_590 : vector<16xi32> to vector<16x1xi32>
        %parallel_loop3A_592 = vector.shape_cast %parallel_loop3A_591 : vector<16x1xi32> to vector<16xi32>
        %parallel_loop3A_593 = tpu.dynamic_gather %parallel_loop3A_566[%parallel_loop3A_592] in [0] : vector<16xi32>, vector<16xi32> -> vector<16xi32>
        %parallel_loop3A_594 = vector.broadcast %parallel_loop3A_537 : i32 to vector<16xi32>
        %parallel_loop3A_595 = tpu.vector_load_idx %arg5[%parallel_loop3A_593, %add3A_5] : memref<1000x33xf32, #tpu.memory_space<vmem>>[vector<16xi32>, vector<16xi32>], vector<16xf32>,
        tpu.vector_store_idx %arg8[%add3A_5, %parallel_loop3A_594], %parallel_loop3A_595 : memref<32x129xf32, #tpu.memory_space<vmem>>[vector<16xi32>, vector<16xi32>], vector<16xf32>,
        %parallel_loop3A_596 = tpu.vector_load_idx %arg5[%parallel_loop3A_593, %add3A_8] : memref<1000x33xf32, #tpu.memory_space<vmem>>[vector<16xi32>, vector<16xi32>], vector<16xf32>,
        tpu.vector_store_idx %arg8[%add3A_8, %parallel_loop3A_594], %parallel_loop3A_596 : memref<32x129xf32, #tpu.memory_space<vmem>>[vector<16xi32>, vector<16xi32>], vector<16xf32>,
      } {sc.loop_unroll_factor = 4 : i64, sc.parallel_access}
      %add3A_475 = arith.constant 1 : i32
      %add3A_476 = arith.addi %mul3A_275, %add3A_475 : i32
      %dma_start3A_477 = arith.constant 0 : i32
      %dma_start3A_478 = arith.constant 0 : i32
      %dma_start3A_479 = arith.constant 0 : i32
      %dma_start3A_480 = tpu.memref_slice %arg8[%dma_start3A_478, %dma_start3A_479] : memref<32x129xf32, #tpu.memory_space<vmem>> -> memref<8x128xf32, #tpu.memory_space<vmem>>
      %dma_start3A_481 = arith.constant 0 : i32
      %dma_start3A_482 = arith.constant 0 : i32
      %dma_start3A_483 = tpu.memref_slice %arg4[%add3A_476, %dma_start3A_477, %add3A, %dma_start3A_481, %dma_start3A_482] : memref<200x4x32x8x128xf32, #tpu.memory_space<hbm>> -> memref<1x1x1x8x128xf32, #tpu.memory_space<hbm>>
      %dma_start3A_484 = tpu.memref_squeeze %dma_start3A_483 : memref<1x1x1x8x128xf32, #tpu.memory_space<hbm>> -> memref<8x128xf32, #tpu.memory_space<hbm>>
      %dma_start3A_485 = arith.constant 0 : i32
      %dma_start3A_486 = arith.constant 0 : i32
      %dma_start3A_487 = tpu.memref_slice %arg4[%add3A_476, %dma_start3A_477, %add3A, %dma_start3A_485, %dma_start3A_486] : memref<200x4x32x8x128xf32, #tpu.memory_space<hbm>> -> memref<1x1x1x8x128xf32, #tpu.memory_space<hbm>>
      %dma_start3A_488 = tpu.memref_squeeze %dma_start3A_487 : memref<1x1x1x8x128xf32, #tpu.memory_space<hbm>> -> memref<8x128xf32, #tpu.memory_space<hbm>>
      %dma_start3A_489 = arith.constant 0 : i32
      %dma_start3A_490 = arith.constant 0 : i32
      %dma_start3A_491 = tpu.memref_slice %arg8[%dma_start3A_489, %dma_start3A_490] : memref<32x129xf32, #tpu.memory_space<vmem>> -> memref<8x128xf32, #tpu.memory_space<vmem>>
      tpu.enqueue_dma source(%dma_start3A_491 : memref<8x128xf32, #tpu.memory_space<vmem>>) target(%dma_start3A_488 : memref<8x128xf32, #tpu.memory_space<hbm>>) target_semaphore(%arg10 : memref<!tpu.dma_semaphore, #tpu.memory_space<semaphore_mem>>)
      %dma_start3A_492 = arith.constant 1 : i32
      %dma_start3A_493 = arith.constant 8 : i32
      %dma_start3A_494 = arith.constant 0 : i32
      %dma_start3A_495 = tpu.memref_slice %arg8[%dma_start3A_493, %dma_start3A_494] : memref<32x129xf32, #tpu.memory_space<vmem>> -> memref<8x128xf32, #tpu.memory_space<vmem>>
      %dma_start3A_496 = arith.constant 0 : i32
      %dma_start3A_497 = arith.constant 0 : i32
      %dma_start3A_498 = tpu.memref_slice %arg4[%add3A_476, %dma_start3A_492, %add3A, %dma_start3A_496, %dma_start3A_497] : memref<200x4x32x8x128xf32, #tpu.memory_space<hbm>> -> memref<1x1x1x8x128xf32, #tpu.memory_space<hbm>>
      %dma_start3A_499 = tpu.memref_squeeze %dma_start3A_498 : memref<1x1x1x8x128xf32, #tpu.memory_space<hbm>> -> memref<8x128xf32, #tpu.memory_space<hbm>>
      %dma_start3A_500 = arith.constant 0 : i32
      %dma_start3A_501 = arith.constant 0 : i32
      %dma_start3A_502 = tpu.memref_slice %arg4[%add3A_476, %dma_start3A_492, %add3A, %dma_start3A_500, %dma_start3A_501] : memref<200x4x32x8x128xf32, #tpu.memory_space<hbm>> -> memref<1x1x1x8x128xf32, #tpu.memory_space<hbm>>
      %dma_start3A_503 = tpu.memref_squeeze %dma_start3A_502 : memref<1x1x1x8x128xf32, #tpu.memory_space<hbm>> -> memref<8x128xf32, #tpu.memory_space<hbm>>
      %dma_start3A_504 = arith.constant 8 : i32
      %dma_start3A_505 = arith.constant 0 : i32
      %dma_start3A_506 = tpu.memref_slice %arg8[%dma_start3A_504, %dma_start3A_505] : memref<32x129xf32, #tpu.memory_space<vmem>> -> memref<8x128xf32, #tpu.memory_space<vmem>>
      tpu.enqueue_dma source(%dma_start3A_506 : memref<8x128xf32, #tpu.memory_space<vmem>>) target(%dma_start3A_503 : memref<8x128xf32, #tpu.memory_space<hbm>>) target_semaphore(%arg10 : memref<!tpu.dma_semaphore, #tpu.memory_space<semaphore_mem>>)
      %dma_start3A_507 = arith.constant 2 : i32
      %dma_start3A_508 = arith.constant 16 : i32
      %dma_start3A_509 = arith.constant 0 : i32
      %dma_start3A_510 = tpu.memref_slice %arg8[%dma_start3A_508, %dma_start3A_509] : memref<32x129xf32, #tpu.memory_space<vmem>> -> memref<8x128xf32, #tpu.memory_space<vmem>>
      %dma_start3A_511 = arith.constant 0 : i32
      %dma_start3A_512 = arith.constant 0 : i32
      %dma_start3A_513 = tpu.memref_slice %arg4[%add3A_476, %dma_start3A_507, %add3A, %dma_start3A_511, %dma_start3A_512] : memref<200x4x32x8x128xf32, #tpu.memory_space<hbm>> -> memref<1x1x1x8x128xf32, #tpu.memory_space<hbm>>
      %dma_start3A_514 = tpu.memref_squeeze %dma_start3A_513 : memref<1x1x1x8x128xf32, #tpu.memory_space<hbm>> -> memref<8x128xf32, #tpu.memory_space<hbm>>
      %dma_start3A_515 = arith.constant 0 : i32
      %dma_start3A_516 = arith.constant 0 : i32
      %dma_start3A_517 = tpu.memref_slice %arg4[%add3A_476, %dma_start3A_507, %add3A, %dma_start3A_515, %dma_start3A_516] : memref<200x4x32x8x128xf32, #tpu.memory_space<hbm>> -> memref<1x1x1x8x128xf32, #tpu.memory_space<hbm>>
      %dma_start3A_518 = tpu.memref_squeeze %dma_start3A_517 : memref<1x1x1x8x128xf32, #tpu.memory_space<hbm>> -> memref<8x128xf32, #tpu.memory_space<hbm>>
      %dma_start3A_519 = arith.constant 16 : i32
      %dma_start3A_520 = arith.constant 0 : i32
      %dma_start3A_521 = tpu.memref_slice %arg8[%dma_start3A_519, %dma_start3A_520] : memref<32x129xf32, #tpu.memory_space<vmem>> -> memref<8x128xf32, #tpu.memory_space<vmem>>
      tpu.enqueue_dma source(%dma_start3A_521 : memref<8x128xf32, #tpu.memory_space<vmem>>) target(%dma_start3A_518 : memref<8x128xf32, #tpu.memory_space<hbm>>) target_semaphore(%arg10 : memref<!tpu.dma_semaphore, #tpu.memory_space<semaphore_mem>>)
      %dma_start3A_522 = arith.constant 3 : i32
      %dma_start3A_523 = arith.constant 24 : i32
      %dma_start3A_524 = arith.constant 0 : i32
      %dma_start3A_525 = tpu.memref_slice %arg8[%dma_start3A_523, %dma_start3A_524] : memref<32x129xf32, #tpu.memory_space<vmem>> -> memref<8x128xf32, #tpu.memory_space<vmem>>
      %dma_start3A_526 = arith.constant 0 : i32
      %dma_start3A_527 = arith.constant 0 : i32
      %dma_start3A_528 = tpu.memref_slice %arg4[%add3A_476, %dma_start3A_522, %add3A, %dma_start3A_526, %dma_start3A_527] : memref<200x4x32x8x128xf32, #tpu.memory_space<hbm>> -> memref<1x1x1x8x128xf32, #tpu.memory_space<hbm>>
      %dma_start3A_529 = tpu.memref_squeeze %dma_start3A_528 : memref<1x1x1x8x128xf32, #tpu.memory_space<hbm>> -> memref<8x128xf32, #tpu.memory_space<hbm>>
      %dma_start3A_530 = arith.constant 0 : i32
      %dma_start3A_531 = arith.constant 0 : i32
      %dma_start3A_532 = tpu.memref_slice %arg4[%add3A_476, %dma_start3A_522, %add3A, %dma_start3A_530, %dma_start3A_531] : memref<200x4x32x8x128xf32, #tpu.memory_space<hbm>> -> memref<1x1x1x8x128xf32, #tpu.memory_space<hbm>>
      %dma_start3A_533 = tpu.memref_squeeze %dma_start3A_532 : memref<1x1x1x8x128xf32, #tpu.memory_space<hbm>> -> memref<8x128xf32, #tpu.memory_space<hbm>>
      %dma_start3A_534 = arith.constant 24 : i32
      %dma_start3A_535 = arith.constant 0 : i32
      %dma_start3A_536 = tpu.memref_slice %arg8[%dma_start3A_534, %dma_start3A_535] : memref<32x129xf32, #tpu.memory_space<vmem>> -> memref<8x128xf32, #tpu.memory_space<vmem>>
      tpu.enqueue_dma source(%dma_start3A_536 : memref<8x128xf32, #tpu.memory_space<vmem>>) target(%dma_start3A_533 : memref<8x128xf32, #tpu.memory_space<hbm>>) target_semaphore(%arg10 : memref<!tpu.dma_semaphore, #tpu.memory_space<semaphore_mem>>)
    }
    %scan3A_145 = arith.constant 99 : i32
    %dma_wait3A = arith.constant 198 : i32
    %dma_wait3A_146 = arith.constant 0 : i32
    %dma_wait3A_147 = arith.constant 0 : i32
    %dma_wait3A_148 = arith.constant 0 : i32
    %dma_wait3A_149 = tpu.memref_slice %arg7[%dma_wait3A_147, %dma_wait3A_148] : memref<32x129xf32, #tpu.memory_space<vmem>> -> memref<8x128xf32, #tpu.memory_space<vmem>>
    %dma_wait3A_150 = arith.constant 0 : i32
    %dma_wait3A_151 = arith.constant 0 : i32
    %dma_wait3A_152 = tpu.memref_slice %arg4[%dma_wait3A, %dma_wait3A_146, %add3A, %dma_wait3A_150, %dma_wait3A_151] : memref<200x4x32x8x128xf32, #tpu.memory_space<hbm>> -> memref<1x1x1x8x128xf32, #tpu.memory_space<hbm>>
    %dma_wait3A_153 = tpu.memref_squeeze %dma_wait3A_152 : memref<1x1x1x8x128xf32, #tpu.memory_space<hbm>> -> memref<8x128xf32, #tpu.memory_space<hbm>>
    %dma_wait3A_154 = arith.constant 0 : i32
    %dma_wait3A_155 = arith.constant 0 : i32
    %dma_wait3A_156 = tpu.memref_slice %arg4[%dma_wait3A, %dma_wait3A_146, %add3A, %dma_wait3A_154, %dma_wait3A_155] : memref<200x4x32x8x128xf32, #tpu.memory_space<hbm>> -> memref<1x1x1x8x128xf32, #tpu.memory_space<hbm>>
    %dma_wait3A_157 = tpu.memref_squeeze %dma_wait3A_156 : memref<1x1x1x8x128xf32, #tpu.memory_space<hbm>> -> memref<8x128xf32, #tpu.memory_space<hbm>>
    %dma_wait3A_158 = arith.constant 0 : i32
    %dma_wait3A_159 = arith.constant 0 : i32
    %dma_wait3A_160 = tpu.memref_slice %arg7[%dma_wait3A_158, %dma_wait3A_159] : memref<32x129xf32, #tpu.memory_space<vmem>> -> memref<8x128xf32, #tpu.memory_space<vmem>>
    tpu.wait_dma2 semaphore(%arg9 : memref<!tpu.dma_semaphore, #tpu.memory_space<semaphore_mem>>) src(%dma_wait3A_160 : memref<8x128xf32, #tpu.memory_space<vmem>>) dst(%dma_wait3A_157 : memref<8x128xf32, #tpu.memory_space<hbm>>)
    %dma_wait3A_161 = arith.constant 198 : i32
    %dma_wait3A_162 = arith.constant 1 : i32
    %dma_wait3A_163 = arith.constant 8 : i32
    %dma_wait3A_164 = arith.constant 0 : i32
    %dma_wait3A_165 = tpu.memref_slice %arg7[%dma_wait3A_163, %dma_wait3A_164] : memref<32x129xf32, #tpu.memory_space<vmem>> -> memref<8x128xf32, #tpu.memory_space<vmem>>
    %dma_wait3A_166 = arith.constant 0 : i32
    %dma_wait3A_167 = arith.constant 0 : i32
    %dma_wait3A_168 = tpu.memref_slice %arg4[%dma_wait3A_161, %dma_wait3A_162, %add3A, %dma_wait3A_166, %dma_wait3A_167] : memref<200x4x32x8x128xf32, #tpu.memory_space<hbm>> -> memref<1x1x1x8x128xf32, #tpu.memory_space<hbm>>
    %dma_wait3A_169 = tpu.memref_squeeze %dma_wait3A_168 : memref<1x1x1x8x128xf32, #tpu.memory_space<hbm>> -> memref<8x128xf32, #tpu.memory_space<hbm>>
    %dma_wait3A_170 = arith.constant 0 : i32
    %dma_wait3A_171 = arith.constant 0 : i32
    %dma_wait3A_172 = tpu.memref_slice %arg4[%dma_wait3A_161, %dma_wait3A_162, %add3A, %dma_wait3A_170, %dma_wait3A_171] : memref<200x4x32x8x128xf32, #tpu.memory_space<hbm>> -> memref<1x1x1x8x128xf32, #tpu.memory_space<hbm>>
    %dma_wait3A_173 = tpu.memref_squeeze %dma_wait3A_172 : memref<1x1x1x8x128xf32, #tpu.memory_space<hbm>> -> memref<8x128xf32, #tpu.memory_space<hbm>>
    %dma_wait3A_174 = arith.constant 8 : i32
    %dma_wait3A_175 = arith.constant 0 : i32
    %dma_wait3A_176 = tpu.memref_slice %arg7[%dma_wait3A_174, %dma_wait3A_175] : memref<32x129xf32, #tpu.memory_space<vmem>> -> memref<8x128xf32, #tpu.memory_space<vmem>>
    tpu.wait_dma2 semaphore(%arg9 : memref<!tpu.dma_semaphore, #tpu.memory_space<semaphore_mem>>) src(%dma_wait3A_176 : memref<8x128xf32, #tpu.memory_space<vmem>>) dst(%dma_wait3A_173 : memref<8x128xf32, #tpu.memory_space<hbm>>)
    %dma_wait3A_177 = arith.constant 198 : i32
    %dma_wait3A_178 = arith.constant 2 : i32
    %dma_wait3A_179 = arith.constant 16 : i32
    %dma_wait3A_180 = arith.constant 0 : i32
    %dma_wait3A_181 = tpu.memref_slice %arg7[%dma_wait3A_179, %dma_wait3A_180] : memref<32x129xf32, #tpu.memory_space<vmem>> -> memref<8x128xf32, #tpu.memory_space<vmem>>
    %dma_wait3A_182 = arith.constant 0 : i32
    %dma_wait3A_183 = arith.constant 0 : i32
    %dma_wait3A_184 = tpu.memref_slice %arg4[%dma_wait3A_177, %dma_wait3A_178, %add3A, %dma_wait3A_182, %dma_wait3A_183] : memref<200x4x32x8x128xf32, #tpu.memory_space<hbm>> -> memref<1x1x1x8x128xf32, #tpu.memory_space<hbm>>
    %dma_wait3A_185 = tpu.memref_squeeze %dma_wait3A_184 : memref<1x1x1x8x128xf32, #tpu.memory_space<hbm>> -> memref<8x128xf32, #tpu.memory_space<hbm>>
    %dma_wait3A_186 = arith.constant 0 : i32
    %dma_wait3A_187 = arith.constant 0 : i32
    %dma_wait3A_188 = tpu.memref_slice %arg4[%dma_wait3A_177, %dma_wait3A_178, %add3A, %dma_wait3A_186, %dma_wait3A_187] : memref<200x4x32x8x128xf32, #tpu.memory_space<hbm>> -> memref<1x1x1x8x128xf32, #tpu.memory_space<hbm>>
    %dma_wait3A_189 = tpu.memref_squeeze %dma_wait3A_188 : memref<1x1x1x8x128xf32, #tpu.memory_space<hbm>> -> memref<8x128xf32, #tpu.memory_space<hbm>>
    %dma_wait3A_190 = arith.constant 16 : i32
    %dma_wait3A_191 = arith.constant 0 : i32
    %dma_wait3A_192 = tpu.memref_slice %arg7[%dma_wait3A_190, %dma_wait3A_191] : memref<32x129xf32, #tpu.memory_space<vmem>> -> memref<8x128xf32, #tpu.memory_space<vmem>>
    tpu.wait_dma2 semaphore(%arg9 : memref<!tpu.dma_semaphore, #tpu.memory_space<semaphore_mem>>) src(%dma_wait3A_192 : memref<8x128xf32, #tpu.memory_space<vmem>>) dst(%dma_wait3A_189 : memref<8x128xf32, #tpu.memory_space<hbm>>)
    %dma_wait3A_193 = arith.constant 198 : i32
    %dma_wait3A_194 = arith.constant 3 : i32
    %dma_wait3A_195 = arith.constant 24 : i32
    %dma_wait3A_196 = arith.constant 0 : i32
    %dma_wait3A_197 = tpu.memref_slice %arg7[%dma_wait3A_195, %dma_wait3A_196] : memref<32x129xf32, #tpu.memory_space<vmem>> -> memref<8x128xf32, #tpu.memory_space<vmem>>
    %dma_wait3A_198 = arith.constant 0 : i32
    %dma_wait3A_199 = arith.constant 0 : i32
    %dma_wait3A_200 = tpu.memref_slice %arg4[%dma_wait3A_193, %dma_wait3A_194, %add3A, %dma_wait3A_198, %dma_wait3A_199] : memref<200x4x32x8x128xf32, #tpu.memory_space<hbm>> -> memref<1x1x1x8x128xf32, #tpu.memory_space<hbm>>
    %dma_wait3A_201 = tpu.memref_squeeze %dma_wait3A_200 : memref<1x1x1x8x128xf32, #tpu.memory_space<hbm>> -> memref<8x128xf32, #tpu.memory_space<hbm>>
    %dma_wait3A_202 = arith.constant 0 : i32
    %dma_wait3A_203 = arith.constant 0 : i32
    %dma_wait3A_204 = tpu.memref_slice %arg4[%dma_wait3A_193, %dma_wait3A_194, %add3A, %dma_wait3A_202, %dma_wait3A_203] : memref<200x4x32x8x128xf32, #tpu.memory_space<hbm>> -> memref<1x1x1x8x128xf32, #tpu.memory_space<hbm>>
    %dma_wait3A_205 = tpu.memref_squeeze %dma_wait3A_204 : memref<1x1x1x8x128xf32, #tpu.memory_space<hbm>> -> memref<8x128xf32, #tpu.memory_space<hbm>>
    %dma_wait3A_206 = arith.constant 24 : i32
    %dma_wait3A_207 = arith.constant 0 : i32
    %dma_wait3A_208 = tpu.memref_slice %arg7[%dma_wait3A_206, %dma_wait3A_207] : memref<32x129xf32, #tpu.memory_space<vmem>> -> memref<8x128xf32, #tpu.memory_space<vmem>>
    tpu.wait_dma2 semaphore(%arg9 : memref<!tpu.dma_semaphore, #tpu.memory_space<semaphore_mem>>) src(%dma_wait3A_208 : memref<8x128xf32, #tpu.memory_space<vmem>>) dst(%dma_wait3A_205 : memref<8x128xf32, #tpu.memory_space<hbm>>)
    %dma_wait3A_209 = arith.constant 199 : i32
    %dma_wait3A_210 = arith.constant 0 : i32
    %dma_wait3A_211 = arith.constant 0 : i32
    %dma_wait3A_212 = arith.constant 0 : i32
    %dma_wait3A_213 = tpu.memref_slice %arg8[%dma_wait3A_211, %dma_wait3A_212] : memref<32x129xf32, #tpu.memory_space<vmem>> -> memref<8x128xf32, #tpu.memory_space<vmem>>
    %dma_wait3A_214 = arith.constant 0 : i32
    %dma_wait3A_215 = arith.constant 0 : i32
    %dma_wait3A_216 = tpu.memref_slice %arg4[%dma_wait3A_209, %dma_wait3A_210, %add3A, %dma_wait3A_214, %dma_wait3A_215] : memref<200x4x32x8x128xf32, #tpu.memory_space<hbm>> -> memref<1x1x1x8x128xf32, #tpu.memory_space<hbm>>
    %dma_wait3A_217 = tpu.memref_squeeze %dma_wait3A_216 : memref<1x1x1x8x128xf32, #tpu.memory_space<hbm>> -> memref<8x128xf32, #tpu.memory_space<hbm>>
    %dma_wait3A_218 = arith.constant 0 : i32
    %dma_wait3A_219 = arith.constant 0 : i32
    %dma_wait3A_220 = tpu.memref_slice %arg4[%dma_wait3A_209, %dma_wait3A_210, %add3A, %dma_wait3A_218, %dma_wait3A_219] : memref<200x4x32x8x128xf32, #tpu.memory_space<hbm>> -> memref<1x1x1x8x128xf32, #tpu.memory_space<hbm>>
    %dma_wait3A_221 = tpu.memref_squeeze %dma_wait3A_220 : memref<1x1x1x8x128xf32, #tpu.memory_space<hbm>> -> memref<8x128xf32, #tpu.memory_space<hbm>>
    %dma_wait3A_222 = arith.constant 0 : i32
    %dma_wait3A_223 = arith.constant 0 : i32
    %dma_wait3A_224 = tpu.memref_slice %arg8[%dma_wait3A_222, %dma_wait3A_223] : memref<32x129xf32, #tpu.memory_space<vmem>> -> memref<8x128xf32, #tpu.memory_space<vmem>>
    tpu.wait_dma2 semaphore(%arg10 : memref<!tpu.dma_semaphore, #tpu.memory_space<semaphore_mem>>) src(%dma_wait3A_224 : memref<8x128xf32, #tpu.memory_space<vmem>>) dst(%dma_wait3A_221 : memref<8x128xf32, #tpu.memory_space<hbm>>)
    %dma_wait3A_225 = arith.constant 199 : i32
    %dma_wait3A_226 = arith.constant 1 : i32
    %dma_wait3A_227 = arith.constant 8 : i32
    %dma_wait3A_228 = arith.constant 0 : i32
    %dma_wait3A_229 = tpu.memref_slice %arg8[%dma_wait3A_227, %dma_wait3A_228] : memref<32x129xf32, #tpu.memory_space<vmem>> -> memref<8x128xf32, #tpu.memory_space<vmem>>
    %dma_wait3A_230 = arith.constant 0 : i32
    %dma_wait3A_231 = arith.constant 0 : i32
    %dma_wait3A_232 = tpu.memref_slice %arg4[%dma_wait3A_225, %dma_wait3A_226, %add3A, %dma_wait3A_230, %dma_wait3A_231] : memref<200x4x32x8x128xf32, #tpu.memory_space<hbm>> -> memref<1x1x1x8x128xf32, #tpu.memory_space<hbm>>
    %dma_wait3A_233 = tpu.memref_squeeze %dma_wait3A_232 : memref<1x1x1x8x128xf32, #tpu.memory_space<hbm>> -> memref<8x128xf32, #tpu.memory_space<hbm>>
    %dma_wait3A_234 = arith.constant 0 : i32
    %dma_wait3A_235 = arith.constant 0 : i32
    %dma_wait3A_236 = tpu.memref_slice %arg4[%dma_wait3A_225, %dma_wait3A_226, %add3A, %dma_wait3A_234, %dma_wait3A_235] : memref<200x4x32x8x128xf32, #tpu.memory_space<hbm>> -> memref<1x1x1x8x128xf32, #tpu.memory_space<hbm>>
    %dma_wait3A_237 = tpu.memref_squeeze %dma_wait3A_236 : memref<1x1x1x8x128xf32, #tpu.memory_space<hbm>> -> memref<8x128xf32, #tpu.memory_space<hbm>>
    %dma_wait3A_238 = arith.constant 8 : i32
    %dma_wait3A_239 = arith.constant 0 : i32
    %dma_wait3A_240 = tpu.memref_slice %arg8[%dma_wait3A_238, %dma_wait3A_239] : memref<32x129xf32, #tpu.memory_space<vmem>> -> memref<8x128xf32, #tpu.memory_space<vmem>>
    tpu.wait_dma2 semaphore(%arg10 : memref<!tpu.dma_semaphore, #tpu.memory_space<semaphore_mem>>) src(%dma_wait3A_240 : memref<8x128xf32, #tpu.memory_space<vmem>>) dst(%dma_wait3A_237 : memref<8x128xf32, #tpu.memory_space<hbm>>)
    %dma_wait3A_241 = arith.constant 199 : i32
    %dma_wait3A_242 = arith.constant 2 : i32
    %dma_wait3A_243 = arith.constant 16 : i32
    %dma_wait3A_244 = arith.constant 0 : i32
    %dma_wait3A_245 = tpu.memref_slice %arg8[%dma_wait3A_243, %dma_wait3A_244] : memref<32x129xf32, #tpu.memory_space<vmem>> -> memref<8x128xf32, #tpu.memory_space<vmem>>
    %dma_wait3A_246 = arith.constant 0 : i32
    %dma_wait3A_247 = arith.constant 0 : i32
    %dma_wait3A_248 = tpu.memref_slice %arg4[%dma_wait3A_241, %dma_wait3A_242, %add3A, %dma_wait3A_246, %dma_wait3A_247] : memref<200x4x32x8x128xf32, #tpu.memory_space<hbm>> -> memref<1x1x1x8x128xf32, #tpu.memory_space<hbm>>
    %dma_wait3A_249 = tpu.memref_squeeze %dma_wait3A_248 : memref<1x1x1x8x128xf32, #tpu.memory_space<hbm>> -> memref<8x128xf32, #tpu.memory_space<hbm>>
    %dma_wait3A_250 = arith.constant 0 : i32
    %dma_wait3A_251 = arith.constant 0 : i32
    %dma_wait3A_252 = tpu.memref_slice %arg4[%dma_wait3A_241, %dma_wait3A_242, %add3A, %dma_wait3A_250, %dma_wait3A_251] : memref<200x4x32x8x128xf32, #tpu.memory_space<hbm>> -> memref<1x1x1x8x128xf32, #tpu.memory_space<hbm>>
    %dma_wait3A_253 = tpu.memref_squeeze %dma_wait3A_252 : memref<1x1x1x8x128xf32, #tpu.memory_space<hbm>> -> memref<8x128xf32, #tpu.memory_space<hbm>>
    %dma_wait3A_254 = arith.constant 16 : i32
    %dma_wait3A_255 = arith.constant 0 : i32
    %dma_wait3A_256 = tpu.memref_slice %arg8[%dma_wait3A_254, %dma_wait3A_255] : memref<32x129xf32, #tpu.memory_space<vmem>> -> memref<8x128xf32, #tpu.memory_space<vmem>>
    tpu.wait_dma2 semaphore(%arg10 : memref<!tpu.dma_semaphore, #tpu.memory_space<semaphore_mem>>) src(%dma_wait3A_256 : memref<8x128xf32, #tpu.memory_space<vmem>>) dst(%dma_wait3A_253 : memref<8x128xf32, #tpu.memory_space<hbm>>)
    %dma_wait3A_257 = arith.constant 199 : i32
    %dma_wait3A_258 = arith.constant 3 : i32
    %dma_wait3A_259 = arith.constant 24 : i32
    %dma_wait3A_260 = arith.constant 0 : i32
    %dma_wait3A_261 = tpu.memref_slice %arg8[%dma_wait3A_259, %dma_wait3A_260] : memref<32x129xf32, #tpu.memory_space<vmem>> -> memref<8x128xf32, #tpu.memory_space<vmem>>
    %dma_wait3A_262 = arith.constant 0 : i32
    %dma_wait3A_263 = arith.constant 0 : i32
    %dma_wait3A_264 = tpu.memref_slice %arg4[%dma_wait3A_257, %dma_wait3A_258, %add3A, %dma_wait3A_262, %dma_wait3A_263] : memref<200x4x32x8x128xf32, #tpu.memory_space<hbm>> -> memref<1x1x1x8x128xf32, #tpu.memory_space<hbm>>
    %dma_wait3A_265 = tpu.memref_squeeze %dma_wait3A_264 : memref<1x1x1x8x128xf32, #tpu.memory_space<hbm>> -> memref<8x128xf32, #tpu.memory_space<hbm>>
    %dma_wait3A_266 = arith.constant 0 : i32
    %dma_wait3A_267 = arith.constant 0 : i32
    %dma_wait3A_268 = tpu.memref_slice %arg4[%dma_wait3A_257, %dma_wait3A_258, %add3A, %dma_wait3A_266, %dma_wait3A_267] : memref<200x4x32x8x128xf32, #tpu.memory_space<hbm>> -> memref<1x1x1x8x128xf32, #tpu.memory_space<hbm>>
    %dma_wait3A_269 = tpu.memref_squeeze %dma_wait3A_268 : memref<1x1x1x8x128xf32, #tpu.memory_space<hbm>> -> memref<8x128xf32, #tpu.memory_space<hbm>>
    %dma_wait3A_270 = arith.constant 24 : i32
    %dma_wait3A_271 = arith.constant 0 : i32
    %dma_wait3A_272 = tpu.memref_slice %arg8[%dma_wait3A_270, %dma_wait3A_271] : memref<32x129xf32, #tpu.memory_space<vmem>> -> memref<8x128xf32, #tpu.memory_space<vmem>>
    tpu.wait_dma2 semaphore(%arg10 : memref<!tpu.dma_semaphore, #tpu.memory_space<semaphore_mem>>) src(%dma_wait3A_272 : memref<8x128xf32, #tpu.memory_space<vmem>>) dst(%dma_wait3A_269 : memref<8x128xf32, #tpu.memory_space<hbm>>)
    return
  }
}

</mosaic_0001>

<sc_bundles>
// kernel: kernel.3.cloned.1.call-start
scs
__scs_entry_jumppad:
0x0: {  	(pc) =	sbr.rel $0x88, $3  }
0x1: {  	(tag) =	ssettag $0x0;
	lr =	simm.s32 $0x1  }
0x2: {  	[smem:$0x3F9F] =	sst lr;
	_ =	strace $0xD0000000  }
0x3: {  	_ = 	snop  }
0x4: {  	_ = 	snop  }
0x5: {  	_ = 	snop  }
0x6: {  	_ = 	snop  }
0x7: {  	_ = 	snop  }
__scs_overlays_trampoline_lowered:
0x8: {  	[smem:$0x3FAE] =	sst s0  }
0x9: {  	[smem:$0x3FAF] =	sst s1  }
0xa: {  	[smem:$0x3FB0] =	sst s2  }
0xb: {  	[smem:$0x3FB1] =	sst s3  }
0xc: {  	[smem:$0x3FB2] =	sst s4  }
0xd: {  	[smem:$0x3FB3] =	sst s5  }
0xe: {  	[smem:$0x3FB4] =	sst s6  }
0xf: {  	[smem:$0x3FB5] =	sst s7  }
0x10: {  	[smem:$0x3FB6] =	sst s8  }
0x11: {  	[smem:$0x3FB7] =	sst s9;
	s0 =	simm.s32 @!p0 $0x0  }
0x12: {  	s1 =	sld [smem:$0x3F9D];
	s0 =	simm.s32 @p0 $0x1  }
0x13: {  	[smem:$0x3FB8] =	sst s0;
	s0 =	simm.s32 @!p1 $0x0  }
0x14: {  	s2 =	sld [smem:$0x3F9C];
	s0 =	simm.s32 @p1 $0x1  }
0x15: {  	[smem:$0x3FB9] =	sst s0;
	s0 =	simm.s32 @!p2 $0x0  }
0x16: {  	s3 =	sld [smem:$0x3FDB];
	s0 =	simm.s32 @p2 $0x1  }
0x17: {  	s4 =	simm.s32 $0x1BF5;
	[smem:$0x3FBB] =	sst s0  }
0x18: {  	s0 =	sld [smem:$0x3F9E];
	_ =	swait.ge [sflag:s4], $0x0  }
0x19: {  	s7 =	sld [smem:$0x3F9F]  }
0x1a: {  	s8 =	sadd.s32 $0xFFFFE003, lr  }
0x1b: {  	s9 =	sadd.s32 $0xFFFFFEF7, lr;
	s5 =	simm.s32 $0xFFFFFFFF;
	p2 =	slt.u32 s8, $0xFFFFF086  }
0x1c: {  	p1 =	slt.u32 s9, $0xF7A;
	s5 =	simm.s32 @!p2 $0x0  }
0x1d: {  	s5 =	simm.s32 @p1 $0x1;
	p0 =	seq.s32 s7, s2  }
0x1e: {  	s7 =	smul.u32 @!p0 $0xF7A, s2;
	p2 =	seq.s32 @!p0 s5, $0x0  }
0x1f: {  	s9 =	smul.u32 $0xF7A, s1;
	s8 =	simm.s32 @!p0 $0x1BF5;
	p2 =	por !p2, p0  }
0x20: {  	[sflag:s8] =	ssyncset.s32 @!p0 $0xFFFFF086;
	s6 =	sadd.s32 @!p0 s3, s7;
	s7 =	simm.s32 @!p0 $0x108  }
0x21: {  	s3 =	sadd.s32 s3, s9;
	s6 =	sadd.s32 @!p0 $0x88, s6;
	s7 =	simm.s32 @p2 $0x1082  }
0x22: {  	[simem:s7], [sflag:s8] =	dma.local @!p0 [hbm:s6], $0xF7A  }
0x23: {  	s9 =	sor.u32 $0xD0000000, s2;
	s6 =	simm.s32 $0x108;
	_ =	swait.ge @!p0 [sflag:s8], $0x0  }
0x24: {  	s3 =	sadd.s32 $0x88, s3;
	s6 =	simm.s32 @!p1 $0x1082;
	[sflag:s4] =	ssyncset.s32 $0xFFFFF086  }
0x25: {  	[simem:s6], [sflag:s4] =	dma.local [hbm:s3], $0xF7A  }
0x26: {  	[smem:$0x3F9F] =	sst s1;
	(tag) =	ssettag s2;
	_ =	strace s9  }
0x27: {  	s1 =	sld [smem:$0x3FAF]  }
0x28: {  	s2 =	sld [smem:$0x3FB0]  }
0x29: {  	s4 =	sld [smem:$0x3FB2]  }
0x2a: {  	p0 =	seq.s32 s5, $0x0;
	s5 =	sld [smem:$0x3FB3]  }
0x2b: {  	s6 =	sld [smem:$0x3FB4]  }
0x2c: {  	s7 =	sld [smem:$0x3FB5]  }
0x2d: {  	s3 =	simm.s32 $0x108;
	s8 =	sld [smem:$0x3FB6]  }
0x2e: {  	s3 =	simm.s32 @!p0 $0x1082;
	s9 =	sld [smem:$0x3FB7]  }
0x2f: {  	lr =	sadd.s32 s0, s3;
	s0 =	sld [smem:$0x3FAE]  }
0x30: {  	s3 =	sld [smem:$0x3FB1]  }
0x31: {  	[smem:$0x3FBA] =	sst s10  }
0x32: {  	s10 =	sld [smem:$0x3FB8];
	_ =	sdelay $0x3  }
0x33: {  	p0 =	seq.s32 s10, $0x1;
	s10 =	sld [smem:$0x3FBA];
	_ =	sdelay $0x3  }
0x34: {  	[smem:$0x3FBA] =	sst s10  }
0x35: {  	s10 =	sld [smem:$0x3FB9];
	_ =	sdelay $0x3  }
0x36: {  	p1 =	seq.s32 s10, $0x1;
	s10 =	sld [smem:$0x3FBA];
	_ =	sdelay $0x3  }
0x37: {  	[smem:$0x3FBA] =	sst s10  }
0x38: {  	s10 =	sld [smem:$0x3FBB]  }
0x39: {  	_ = 	snop;
	(pc) =	sbr.ind lr, $3  }
0x3a: {  	_ = 	snop  }
0x3b: {  	_ = 	snop  }
0x3c: {  	p2 =	seq.s32 s10, $0x1;
	s10 =	sld [smem:$0x3FBA]  }
0x3d: {  	_ =	shalt  }
0x3e: {  	_ =	shalt  }
0x3f: {  	_ =	shalt  }
0x40: {  	_ =	shalt  }
0x41: {  	_ =	shalt  }
0x42: {  	_ =	shalt  }
0x43: {  	_ =	shalt  }
0x44: {  	_ =	shalt  }
0x45: {  	_ =	shalt  }
0x46: {  	_ =	shalt  }
0x47: {  	_ =	shalt  }
0x48: {  	_ =	shalt  }
0x49: {  	_ =	shalt  }
0x4a: {  	_ =	shalt  }
0x4b: {  	_ =	shalt  }
0x4c: {  	_ =	shalt  }
0x4d: {  	_ =	shalt  }
0x4e: {  	_ =	shalt  }
0x4f: {  	_ =	shalt  }
0x50: {  	_ =	shalt  }
0x51: {  	_ =	shalt  }
0x52: {  	_ =	shalt  }
0x53: {  	_ =	shalt  }
0x54: {  	_ =	shalt  }
0x55: {  	_ =	shalt  }
0x56: {  	_ =	shalt  }
0x57: {  	_ =	shalt  }
0x58: {  	_ =	shalt  }
0x59: {  	_ =	shalt  }
0x5a: {  	_ =	shalt  }
0x5b: {  	_ =	shalt  }
0x5c: {  	_ =	shalt  }
0x5d: {  	_ =	shalt  }
0x5e: {  	_ =	shalt  }
0x5f: {  	_ =	shalt  }
0x60: {  	_ =	shalt  }
0x61: {  	_ =	shalt  }
0x62: {  	_ =	shalt  }
0x63: {  	_ =	shalt  }
0x64: {  	_ =	shalt  }
0x65: {  	_ =	shalt  }
0x66: {  	_ =	shalt  }
0x67: {  	_ =	shalt  }
0x68: {  	_ =	shalt  }
0x69: {  	_ =	shalt  }
0x6a: {  	_ =	shalt  }
0x6b: {  	_ =	shalt  }
0x6c: {  	_ =	shalt  }
0x6d: {  	_ =	shalt  }
0x6e: {  	_ =	shalt  }
0x6f: {  	_ =	shalt  }
0x70: {  	_ =	shalt  }
0x71: {  	_ =	shalt  }
0x72: {  	_ =	shalt  }
0x73: {  	_ =	shalt  }
0x74: {  	_ =	shalt  }
0x75: {  	_ =	shalt  }
0x76: {  	_ =	shalt  }
0x77: {  	_ =	shalt  }
0x78: {  	_ =	shalt  }
0x79: {  	_ =	shalt  }
0x7a: {  	_ =	shalt  }
0x7b: {  	_ =	shalt  }
0x7c: {  	_ =	shalt  }
0x7d: {  	_ =	shalt  }
0x7e: {  	_ =	shalt  }
0x7f: {  	_ =	shalt  }
0x80: {  	_ =	shalt  }
0x81: {  	_ =	shalt  }
0x82: {  	_ =	shalt  }
0x83: {  	_ =	shalt  }
0x84: {  	_ =	shalt  }
0x85: {  	_ =	shalt  }
0x86: {  	_ =	shalt  }
0x87: {  	_ =	shalt  }
.Lfunc_end0:
.L_simem_size_0:
called_computation_lowered:
.L_overlay_start_0:
0x88: {  	s2 =	sld [smem:$0x3FD9]  }
0x89: {  	s3 =	sld [smem:$0x3FFE];
	_ =	sdelay $0x1  }
0x8a: {  	s1 =	srdreg.scid  }
0x8b: {  	s0 =	sand.u32 $0x1, s1  }
0x8c: {  	s17 =	sshll.u32 s0, $0xA;
	s2 =	sadd.s32 s3, s2  }
0x8d: {  	s2 =	sadd.s32 s2, s17  }
0x8e: {  	[smem:$0x3FC6] =	sst s2  }
0x8f: {  	_ = 	snop  }
0x90: {  	s2 =	sld [smem:$0x3FD0];
	(tm) =	ssettm $0x1  }
0x91: {  	s18 =	sld [smem:$0x3FFB];
	_ =	sdelay $0x3  }
0x92: {  	_ =	strace s18  }
0x93: {  	s3 =	sld [smem:$0x3FFC];
	_ =	sdelay $0x3  }
0x94: {  	_ =	strace s3  }
0x95: {  	s3 =	sld [smem:$0x3FFD];
	_ =	sdelay $0x3  }
0x96: {  	_ =	strace s3  }
0x97: {  	_ =	strace $0x8FFFFFFF  }
0x98: {  	s19 =	sld [smem:$0x3FDB];
	_ =	sdelay $0x1  }
0x99: {  	s4 =	simm.s32 $_scs_section_size  }
0x9a: {  	s5 =	simm.s32 $_size__tile_overlayer_lowered;
	s6 =	simm.s32 $_tile_overlayer_lowered  }
0x9b: {  	s22 =	simm.s32 $0x1BFF;
	s21 =	sshll.u32 s6, $0x1;
	s3 =	sadd.s32 s4, s19  }
0x9c: {  	s7 =	simm.s32 $0x0;
	s20 =	sshll.u32 s5, $0x1;
	s5 =	sadd.s32 s21, s3  }
0x9d: {  	[timem:s7], [sflag:s22] =	dma.local [hbm:s5], s20  }
0x9e: {  	_ =	swait.ge [sflag:s22], s20  }
0x9f: {  	s4 =	ssub.s32 $0x0, s20;
	[sflag:s22] =	ssyncset.done $0x0  }
0xa0: {  	[sflag:s22] =	ssyncadd.s32 s4;
	_ =	sdelay $0x1  }
0xa1: {  	s23 =	simm.s32 $0x1B8B  }
0xa2: {  	_ =	swait.ge [sflag:s23], $0x1  }
0xa3: {  	[sflag:s23] =	ssyncset.done $0x0  }
0xa4: {  	s25 =	simm.s32 $0x1B8E;
	s24 =	sld [smem:$0x3FFE];
	[sflag:s23] =	ssyncadd.s32 $0xFFFFFFFF  }
0xa5: {  	s26 =	simm.s32 $execute0_lowered;
	[smem:$0x3FD2] =	sst s25  }
0xa6: {  	s5 =	sshll.u32 s26, $0x1;
	_ =	strace $0x80000046;
	[dreg:$0x1] =	wrdreg $0xFFFFFFFF  }
0xa7: {  	s28 =	simm.s32 $_size_execute0_lowered;
	s3 =	sadd.s32 s3, s5;
	[dreg:$0x0] =	wrdreg $0x0  }
0xa8: {  	s5 =	sshll.u32 s28, $0x1;
	[dreg:$0x2] =	wrdreg s3  }
0xa9: {  	[dreg:$0x3] =	wrdreg s5  }
0xaa: {  	[dreg:$0x4] =	wrdreg $0xC0  }
0xab: {  	_ =	task [dreg:s7], $0x5FFFF  }
0xac: {  	[dreg:$0x1] =	wrdreg $0xFFFFFFFF  }
0xad: {  	[dreg:$0x0] =	wrdreg $0x60  }
0xae: {  	[dreg:$0x2] =	wrdreg s24  }
0xaf: {  	[dreg:$0x3] =	wrdreg s2  }
0xb0: {  	[dreg:$0x4] =	wrdreg $0x9  }
0xb1: {  	_ =	task.clear_ibuf [dreg:s7], $0x5FFFF;
	_ =	strace $0x90000046  }
0xb2: {  	s29 =	simm.s32 $0x9;
	_ =	strace $0x80000048  }
0xb3: {  	_ =	swait.ge [sflag:s29], $0x1  }
0xb4: {  	[sflag:s29] =	ssyncadd.s32 $0xFFFFFFFF  }
0xb5: {  	_ =	strace $0x90000048  }
0xb6: {  	_ =	sfence  }
0xb7: {  	s30 =	sld [smem:$0x0];
	_ =	sdelay $0x2  }
0xb8: {  	s31 =	sshll.u32 s1, $0xD;
	s1 =	sshrl.u32 s1, $0x2  }
0xb9: {  	s3 =	sand.u32 $0x4000, s31;
	s1 =	sadd.s32 s1, s30  }
0xba: {  	s0 =	sor.u32 s3, s0;
	s1 =	sshll.u32 s1, $0x11  }
0xbb: {  	s0 =	sor.u32 s1, s0  }
0xbc: {  	s0 =	sadd.s32 $0x8F2B, s0  }
0xbd: {  	[sflag:s0] =	ssyncadd.remote.s32 $0x1  }
0xbe: {  	_ =	sfence.sel $0xFFFF  }
0xbf: {  	[dreg:$0x0] =	wrdreg $0xFFFFFFFF;
	(pc) =	sbr.abs _section_cstart, $3  }
0xc0: {  	[dreg:$0x1] =	wrdreg $0xFFFFFFFF  }
0xc1: {  	_ =	task.clear_ibuf [dreg:s7], $0x2FFFF;
	_ =	strace $0x9FFFFFFF  }
0xc2: {  	(tm) =	ssettm $0x7FFFFFFF  }
0xc3: {  	_ =	shalt  }
tec
execute0_lowered:
.L_overlay_start_1:
0x0: {  	(tag) =	ssettag $0x1  }
0x1: {  	s0 =	rddreg [dreg:$0x0]  }
0x2: {  	s1 =	srdreg.scid;
	s3 =	stileid.u32  }
0x3: {  	s2 =	rddreg [dreg:$0x1];
	s31 =	simm.s32 $0x11CF0;
	s19 =	simm.s32 $0x11E00  }
0x4: {  	s20 =	simm.s32 $0x11E88;
	s18 =	simm.s32 $0x12020;
	s11 =	simm.s32 $0x120A8  }
0x5: {  	s12 =	simm.s32 $0x12130;
	s13 =	simm.s32 $0x121B8;
	s14 =	simm.s32 $0x1  }
0x6: {  	s15 =	simm.s32 $0x2;
	s16 =	simm.s32 $0x0;
	s1 =	sand.u32 $0x1, s1  }
0x7: {  	s4 =	sshll.u32 s3, $0x1;
	s3 =	simm.s32 $0x0;
	s8 =	sadd.s32 $0x1000, s2  }
0x8: {  	s9 =	sadd.s32 $0x2000, s2;
	s10 =	sadd.s32 $0x3000, s2;
	s5 =	sor.u32 s1, s4  }
0x9: {  	[smem:$0x7FF] =	sst s3;
	s1 =	ssub.s32 $0x2, s1;
	s22 =	sshll.u32 s5, $0x7  }
0xa: {  	s4 =	sshll.u32 s5, $0x4;
	_ =	strace $0x80000047;
	s24 =	sadd.s32 s22, s8  }
0xb: {  	s7 =	sshrl.u32 s1, $0x1;
	s25 =	sadd.s32 s22, s9;
	[dreg:$0x5] =	wrdreg s24  }
0xc: {  	s21 =	ssub.s32 s1, s7;
	s1 =	sadd.s32 s22, s10;
	[dreg:$0x6] =	wrdreg s25  }
0xd: {  	s6 =	sadd.s32 s4, s0;
	s23 =	sadd.s32 s2, s22;
	[dreg:$0x7] =	wrdreg s1  }
0xe: {  	s4 =	sadd.s32 $0x400, s0;
	s6 =	sadd.s32 $0x1400, s6;
	[dreg:$0x4] =	wrdreg s23  }
0xf: {  	s22 =	simm.s32 $0x10040;
	s26 =	sadd.s32 $0x4000, s23;
	[dreg:$0x3] =	wrdreg s6  }
.Ltmp0:
0x10: {  	s28 =	sadd.s32 $0x5000, s23;
	[dreg:$0x8] =	wrdreg s26;
	(pc) =	sbr.rel .LBB2_1-.Ltmp0, $4  }
0x11: {  	v0 =	vlaneseq.u32;
	s29 =	sadd.s32 $0x6000, s23;
	s30 =	sadd.s32 $0x7000, s23;
	[dreg:$0x9] =	wrdreg s28  }
0x12: {  	v1 =	vmul.u32 $0x88, v0;
	s0 =	smax.u32 s21, $0x1;
	s1 =	simm.s32 $0x11140;
	[dreg:$0xa] =	wrdreg s29  }
0x13: {  	s21 =	simm.s32 $0x11F10;
	s6 =	sshll.u32 s5, $0xA;
	[dreg:$0xb] =	wrdreg s30  }
0x14: {  	v2 =	vor.u32 $0x10, v0;
	v3 =	vadd.s32 $0x880, v1;
	[dreg:$0xc] =	wrdreg s0;
	s0 =	simm.s32 $0x11D78;
	s5 =	simm.s32 $0x11F98  }
.LBB2_37:
0x15: {  	_ =	swait.ge [sflag:s14], $0x400  }
0x16: {  	[sflag:s14] =	ssyncset.done $0x0  }
0x17: {  	[sflag:s14] =	ssyncadd.s32 $0xFFFFFC00  }
0x18: {  	_ =	swait.ge [sflag:s14], $0x400  }
0x19: {  	[sflag:s14] =	ssyncset.done $0x0  }
0x1a: {  	[sflag:s14] =	ssyncadd.s32 $0xFFFFFC00  }
0x1b: {  	_ =	swait.ge [sflag:s14], $0x400  }
0x1c: {  	[sflag:s14] =	ssyncset.done $0x0  }
0x1d: {  	[sflag:s14] =	ssyncadd.s32 $0xFFFFFC00  }
0x1e: {  	_ =	swait.ge [sflag:s14], $0x400  }
0x1f: {  	[sflag:s14] =	ssyncset.done $0x0  }
0x20: {  	[sflag:s14] =	ssyncadd.s32 $0xFFFFFC00  }
0x21: {  	_ =	swait.ge [sflag:s15], $0x400  }
0x22: {  	[sflag:s15] =	ssyncset.done $0x0  }
0x23: {  	[sflag:s15] =	ssyncadd.s32 $0xFFFFFC00  }
0x24: {  	_ =	swait.ge [sflag:s15], $0x400  }
0x25: {  	[sflag:s15] =	ssyncset.done $0x0  }
0x26: {  	[sflag:s15] =	ssyncadd.s32 $0xFFFFFC00  }
0x27: {  	_ =	swait.ge [sflag:s15], $0x400  }
0x28: {  	[sflag:s15] =	ssyncset.done $0x0  }
0x29: {  	[sflag:s15] =	ssyncadd.s32 $0xFFFFFC00  }
0x2a: {  	_ =	swait.ge [sflag:s15], $0x400  }
0x2b: {  	s16 =	rddreg [dreg:$0xd]  }
0x2c: {  	s7 =	rddreg [dreg:$0xc];
	s16 =	sadd.s32 $0x1, s16  }
0x2d: {  	p0 =	sne.s32 s16, s7  }
.Ltmp1:
0x2e: {  	_ = 	snop;
	(pc) =	sbr.rel @!p0 .LBB2_38-.Ltmp1, $3  }
0x2f: {  	_ =	sdelay $0x1  }
0x30: {  	[sflag:s15] =	ssyncset.done $0x0  }
0x31: {  	[sflag:s15] =	ssyncadd.s32 $0xFFFFFC00  }
.LBB2_1:
0x32: {  	[dreg:$0xd] =	wrdreg s16;
	s7 =	simm.s32 $0x4  }
0x33: {  	s23 =	sadd.s32 $0x0, s4;
	s16 =	simm.s32 $0x28;
	s17 =	simm.s32 $0x0  }
.LBB2_2:
0x34: {  	[tilespmem:s17], [sflag:$0x3] =	stream.linear.gather [hbm4b:s23+s3], $0x20, $0x38;
	[tilespmem:$0x12240] =	vst v63  }
0x35: {  	s23 =	smov.u32 s7;
	s17 =	smov.u32 s16;
	p0 =	sne.s32 s7, $0xF9C  }
.Ltmp2:
0x36: {  	s7 =	sadd.s32 $0x4, s7;
	(pc) =	sbr.rel @p0 .LBB2_2-.Ltmp2, $2  }
0x37: {  	_ =	sdelay $0x2  }
0x38: {  	s16 =	sadd.s32 $0x28, s16;
	s23 =	sadd.s32 s23, s4  }
0x39: {  	[tilespmem:s17], [sflag:$0x3] =	stream.linear.gather [hbm4b:s23+s3], $0x20, $0x38;
	[tilespmem:$0x12240] =	vst v63  }
0x3a: {  	s7 =	simm.s32 $0x3  }
0x3b: {  	_ =	swait.ge [sflag:s7], $0x7D00  }
0x3c: {  	s23 =	simm.s32 $0x80;
	s25 =	simm.s32 $0x1000;
	[sflag:s7] =	ssyncset.done $0x0  }
0x3d: {  	s24 =	simm.s32 $0x9C40;
	s16 =	rddreg [dreg:$0x3];
	[sflag:s7] =	ssyncadd.s32 $0xFFFF8300  }
0x3e: {  	[tilespmem:s24], [sflag:$0x3] =	stream.strided.gather [hbm4b:s16+s23], $0x6400, s25, s23, $0x38;
	[tilespmem:$0x12240] =	vst v63  }
0x3f: {  	s16 =	simm.s32 $0x0;
	_ =	swait.ge [sflag:s7], $0x6400  }
0x40: {  	s26 =	sand.u32 $0x1C0, s16;
	[sflag:s7] =	ssyncset.done $0x0  }
0x41: {  	s17 =	sshrl.u32 s26, $0x2;
	[sflag:s7] =	ssyncadd.s32 $0xFFFF9C00  }
0x42: {  	v5 =	vld [tilespmem:s17+$0x9C40];
	_ =	sdelay $0x1  }
0x43: {  	s30 =	simm.s32 $0x0;
	s23 =	simm.s32 $0x1  }
0x44: {  	v4 =	vmov s30;
	v9 =	vmov s7;
	s24 =	sand.u32 $0xC, s30;
	s25 =	sand.u32 $0xD, s23;
	s26 =	simm.s32 $0x2  }
0x45: {  	p1 =	por $0x1, $0x1;
	v4 =	vand.u32 $0x7C, v4;
	v10 =	vmov s24;
	v8 =	vmov s25;
	s30 =	sand.u32 $0xE, s26  }
.Ltmp3:
0x46: {  	v11 =	vmov s30;
	v6 =	vperm.xlane v5, v10;
	v7 =	vperm.xlane v5, v8;
	(pc) =	sbr.rel @!p1 .LBB2_4-.Ltmp3, $4  }
0x47: {  	v12 =	vmov s23;
	v13 =	vperm.xlane v5, v11;
	v14 =	vperm.xlane v5, v9  }
0x48: {  	v5 =	vand.u32 $0x7D, v12;
	v26 =	vmul.u32 $0x28, v6;
	v17 =	vmul.u32 $0x28, v7  }
0x49: {  	s28 =	simm.s32 $0x7;
	v6 =	vand.u32 $0x7F, v9;
	v18 =	vmul.u32 $0x28, v13;
	v22 =	vmul.u32 $0x28, v14  }
0x4a: {  	s29 =	simm.s32 $0x10;
	p2 =	por $0x0, $0x0;
	p0 =	por $0x0, $0x0;
	v7 =	vmov s26;
	v20 =	vadd.s32 v0, v26;
	v16 =	vadd.s32 v0, v17  }
0x4b: {  	s24 =	sand.u32 $0x1C0, s29  }
0x4c: {  	s24 =	sshrl.u32 s24, $0x2  }
0x4d: {  	v38 =	vadd.s32 v2, v26;
	v37 =	vadd.s32 v2, v22;
	v21 =	vadd.s32 v1, v4;
	v15 =	vld [tilespmem:s24+$0x9C40]  }
0x4e: {  	s23 =	simm.s32 $0x5;
	v23 =	vadd.s32 v0, v22;
	v19 =	vadd.s32 v1, v5;
	v14 =	vand.u32 $0x7E, v7  }
0x4f: {  	s25 =	simm.s32 $0x4;
	v25 =	vmov s28;
	v28 =	vadd.s32 v0, v18;
	v27 =	vadd.s32 v2, v17;
	s26 =	sand.u32 $0xD, s23  }
0x50: {  	v20 =	vld.idx.msk [tilespmem:v20+s3+$0x0], $0xffff;
	v32 =	vadd.s32 v1, v6;
	v12 =	vmov s25;
	s25 =	sand.u32 $0xC, s25;
	v22 =	vmov s26;
	s26 =	simm.s32 $0x6  }
0x51: {  	p3 =	por $0x1, $0x1;
	v13 =	vmov s23;
	v39 =	vadd.s32 v1, v14;
	v24 =	vmov s25;
	s30 =	sand.u32 $0xE, s26  }
.Ltmp4:
0x52: {  	v26 =	vmov s30;
	v24 =	vperm.xlane v15, v24;
	v22 =	vperm.xlane v15, v22;
	(pc) =	sbr.rel @!p3 .LBB2_6-.Ltmp4, $4  }
0x53: {  	v12 =	vand.u32 $0x7C, v12;
	v13 =	vand.u32 $0x7D, v13;
	v29 =	vperm.xlane v15, v26  }
0x54: {  	v31 =	vld.idx.msk [tilespmem:v16+s3+$0x0], $0xffff;
	v30 =	vperm.xlane v15, v25;
	v26 =	vmul.u32 $0x28, v24;
	v40 =	vmul.u32 $0x28, v22  }
0x55: {  	v33 =	vmov s26;
	[tilespmem:v21+s22+$0x0] =	vst.idx.msk $0xffff, v20;
	v15 =	vand.u32 $0x7F, v25;
	v24 =	vmul.u32 $0x28, v29;
	v29 =	vld.idx.msk [tilespmem:v23+s3+$0x0], $0xffff  }
0x56: {  	p2 =	por $0x1, $0x1;
	s24 =	simm.s32 $0xB;
	s25 =	simm.s32 $0x20;
	v22 =	vmul.u32 $0x28, v30;
	v30 =	vld.idx.msk [tilespmem:v28+s3+$0x0], $0xffff;
	v20 =	vadd.s32 v0, v26;
	v16 =	vadd.s32 v0, v40  }
0x57: {  	_ =	sdelay $0x2  }
0x58: {  	s25 =	sand.u32 $0x1C0, s25;
	v25 =	vadd.s32 v2, v26;
	v26 =	vadd.s32 v3, v4  }
0x59: {  	s26 =	simm.s32 $0x8;
	v17 =	vld.idx.msk [tilespmem:v38+s3+$0x0], $0xffff;
	v18 =	vadd.s32 v2, v18;
	v62 =	vadd.s32 v3, v5;
	v41 =	vadd.s32 v3, v6;
	s25 =	sshrl.u32 s25, $0x2  }
0x5a: {  	v42 =	vadd.s32 v1, v12;
	v44 =	vadd.s32 v0, v24;
	v21 =	vmov s26;
	[tilespmem:v19+s22+$0x0] =	vst.idx.msk $0xffff, v31;
	v31 =	vld [tilespmem:s25+$0x9C40]  }
0x5b: {  	s30 =	simm.s32 $0x9;
	v23 =	vadd.s32 v2, v22;
	v43 =	vadd.s32 v0, v22;
	v28 =	vand.u32 $0x7C, v21  }
0x5c: {  	v20 =	vld.idx.msk [tilespmem:v20+s3+$0x0], $0xffff;
	s7 =	sand.u32 $0xD, s30;
	v21 =	vadd.s32 v3, v14;
	v19 =	vadd.s32 v1, v13;
	v14 =	vand.u32 $0x7E, v33  }
0x5d: {  	s23 =	sand.u32 $0xC, s26;
	s26 =	simm.s32 $0xA;
	v22 =	vld.idx.msk [tilespmem:v27+s3+$0x0], $0xffff;
	v27 =	vmov s30;
	[tilespmem:v32+s22+$0x0] =	vst.idx.msk $0xffff, v29;
	v29 =	vmov s7;
	v34 =	vadd.s32 v1, v14  }
0x5e: {  	p4 =	por $0x1, $0x1;
	s30 =	sand.u32 $0xE, s26;
	v36 =	vand.u32 $0x7D, v27;
	[tilespmem:v39+s22+$0x0] =	vst.idx.msk $0xffff, v30;
	v63 =	vld.idx.msk [tilespmem:v37+s3+$0x0], $0xffff;
	v27 =	vmov s23;
	v30 =	vmov s24  }
.Ltmp5:
0x5f: {  	[tilespmem:v26+s22+$0x0] =	vst.idx.msk $0xffff, v17;
	v26 =	vmov s30;
	v35 =	vld.idx.msk [tilespmem:v18+s3+$0x0], $0xffff;
	v17 =	vperm.xlane v31, v27;
	v27 =	vperm.xlane v31, v29;
	(pc) =	sbr.rel @!p4 .LBB2_8-.Ltmp5, $4  }
0x60: {  	v32 =	vadd.s32 v1, v15;
	v18 =	vperm.xlane v31, v26;
	v29 =	vperm.xlane v31, v30;
	v31 =	vld.idx.msk [tilespmem:v16+s3+$0x0], $0xffff  }
0x61: {  	v37 =	vand.u32 $0x7F, v30;
	[tilespmem:v42+s22+$0x0] =	vst.idx.msk $0xffff, v20;
	v26 =	vmul.u32 $0x28, v17;
	v17 =	vmul.u32 $0x28, v27  }
0x62: {  	v30 =	vld.idx.msk [tilespmem:v44+s3+$0x0], $0xffff;
	[tilespmem:v62+s22+$0x0] =	vst.idx.msk $0xffff, v22;
	v27 =	vadd.s32 v2, v40;
	v18 =	vmul.u32 $0x28, v18;
	v22 =	vmul.u32 $0x28, v29  }
0x63: {  	p3 =	por $0x1, $0x1;
	v33 =	vmov s26;
	s25 =	simm.s32 $0x30;
	s24 =	simm.s32 $0xF;
	v29 =	vld.idx.msk [tilespmem:v43+s3+$0x0], $0xffff;
	[tilespmem:v41+s22+$0x0] =	vst.idx.msk $0xffff, v63;
	v20 =	vadd.s32 v0, v26;
	v16 =	vadd.s32 v0, v17  }
.LBB2_9:
0x64: {  	s7 =	sadd.s32 $0xFFFFFFFD, s24;
	s26 =	sand.u32 $0x1C0, s25;
	v38 =	vadd.s32 v2, v22;
	v39 =	vld.idx.msk [tilespmem:v25+s3+$0x0], $0xffff;
	v25 =	vadd.s32 v2, v26;
	[tilespmem:v21+s22+$0x0] =	vst.idx.msk $0xffff, v35  }
0x65: {  	v26 =	vadd.s32 v3, v12;
	v12 =	vmovc v28;
	s26 =	sshrl.u32 s26, $0x2;
	v21 =	vmov s7;
	p4 =	slt.u32 s7, $0x7C;
	[tilespmem:v19+s22+$0x0] =	vst.idx.msk $0xffff, v31;
	v31 =	vadd.s32 v2, v24  }
0x66: {  	v41 =	vadd.s32 v3, v13;
	v42 =	vadd.s32 v3, v15;
	v13 =	vmovc v36;
	v15 =	vmovc v37;
	v40 =	vld [tilespmem:s26+$0x9C40];
	v28 =	vand.u32 $0x7C, v21  }
0x67: {  	v44 =	vadd.s32 v0, v22;
	v43 =	vadd.s32 v1, v12;
	s26 =	sadd.s32 $0xFFFFFFFE, s24;
	v21 =	vadd.s32 v3, v14;
	v22 =	vld.idx.msk [tilespmem:v27+s3+$0x0], $0xffff  }
0x68: {  	v19 =	vadd.s32 v1, v13;
	v24 =	vmovc v18;
	v14 =	vand.u32 $0x7E, v33;
	s23 =	sand.u32 $0xD, s26;
	v27 =	vmov s26;
	v20 =	vld.idx.msk [tilespmem:v20+s3+$0x0], $0xffff;
	[tilespmem:v32+s22+$0x0] =	vst.idx.msk $0xffff, v29  }
0x69: {  	s7 =	sand.u32 $0xC, s7;
	v18 =	vmov s23;
	v36 =	vand.u32 $0x7D, v27;
	s23 =	sadd.s32 $0xFFFFFFFF, s24;
	[tilespmem:v34+s22+$0x0] =	vst.idx.msk $0xffff, v30;
	v34 =	vadd.s32 v1, v14;
	v45 =	vld.idx.msk [tilespmem:v23+s3+$0x0], $0xffff;
	v23 =	vmovc v38  }
0x6a: {  	v27 =	vmov s7;
	v29 =	vmov s24;
	s7 =	sand.u32 $0xE, s23;
	v30 =	vadd.s32 v0, v24;
	[tilespmem:v26+s22+$0x0] =	vst.idx.msk $0xffff, v39;
	v35 =	vld.idx.msk [tilespmem:v31+s3+$0x0], $0xffff  }
.Ltmp6:
0x6b: {  	v26 =	vperm.xlane v40, v27;
	v18 =	vperm.xlane v40, v18;
	v27 =	vmov s7;
	v31 =	vld.idx.msk [tilespmem:v16+s3+$0x0], $0xffff;
	(pc) =	sbr.rel @p4 .LBB2_9-.Ltmp6, $4  }
0x6c: {  	v37 =	vand.u32 $0x7F, v29;
	v32 =	vperm.xlane v40, v29;
	v16 =	vperm.xlane v40, v27  }
0x6d: {  	v27 =	vadd.s32 v2, v17;
	v26 =	vmul.u32 $0x28, v26;
	v17 =	vmul.u32 $0x28, v18;
	[tilespmem:v41+s22+$0x0] =	vst.idx.msk $0xffff, v22  }
0x6e: {  	v22 =	vmul.u32 $0x28, v32;
	v32 =	vadd.s32 v1, v15;
	v18 =	vmul.u32 $0x28, v16;
	[tilespmem:v43+s22+$0x0] =	vst.idx.msk $0xffff, v20;
	v29 =	vld.idx.msk [tilespmem:v44+s3+$0x0], $0xffff  }
0x6f: {  	s25 =	sadd.s32 $0x10, s25;
	s24 =	sadd.s32 $0x4, s24;
	v33 =	vmov s23;
	v20 =	vadd.s32 v0, v26;
	v16 =	vadd.s32 v0, v17;
	v30 =	vld.idx.msk [tilespmem:v30+s3+$0x0], $0xffff;
	[tilespmem:v42+s22+$0x0] =	vst.idx.msk $0xffff, v45  }
0x70: {  	v42 =	vmovc v12;
	v43 =	vmovc v13;
	v41 =	vmov v15;
	v38 =	vmov v25;
	v25 =	vmov v24  }
0x71: {  	v12 =	vmovc v28;
	v13 =	vmovc v36;
	v15 =	vmov v37;
	v39 =	vmov v34;
	v37 =	vmov v23  }
.LBB2_11:
0x72: {  	_ =	sdelay $0x3  }
0x73: {  	v23 =	vld.idx.msk @p2 [tilespmem:v38+s3+$0x0], $0xffff;
	[tilespmem:v19+s22+$0x0] =	vst.idx.msk @p2 $0xffff, v31;
	v19 =	vadd.s32 v0, v22  }
0x74: {  	v24 =	vadd.s32 @p2 v3, v42;
	v28 =	vadd.s32 v0, v18;
	v20 =	vld.idx.msk [tilespmem:v20+s3+$0x0], $0xffff  }
0x75: {  	v25 =	vadd.s32 @p2 v2, v25;
	v31 =	vadd.s32 @p2 v3, v43;
	v55 =	vadd.s32 v1, v12;
	v16 =	vld.idx.msk [tilespmem:v16+s3+$0x0], $0xffff  }
0x76: {  	v26 =	vadd.s32 v2, v26;
	v56 =	vadd.s32 v1, v13;
	v27 =	vld.idx.msk @p2 [tilespmem:v27+s3+$0x0], $0xffff;
	[tilespmem:v32+s22+$0x0] =	vst.idx.msk @p2 $0xffff, v29  }
0x77: {  	v54 =	vadd.s32 v2, v22;
	[tilespmem:v21+s22+$0x0] =	vst.idx.msk @p3 $0xffff, v35;
	v33 =	vand.u32 $0x7E, v33;
	v32 =	vld.idx.msk @p2 [tilespmem:v37+s3+$0x0], $0xffff  }
0x78: {  	v17 =	vadd.s32 v2, v17;
	v57 =	vadd.s32 v1, v15;
	[tilespmem:v39+s22+$0x0] =	vst.idx.msk @p2 $0xffff, v30;
	v19 =	vld.idx.msk [tilespmem:v19+s3+$0x0], $0xffff  }
0x79: {  	v34 =	vadd.s32 @p2 v3, v41;
	v58 =	vadd.s32 v1, v33;
	[tilespmem:v24+s22+$0x0] =	vst.idx.msk @p2 $0xffff, v23;
	v59 =	vld.idx.msk [tilespmem:v28+s3+$0x0], $0xffff  }
0x7a: {  	v14 =	vadd.s32 @p2 v3, v14;
	v18 =	vadd.s32 v2, v18;
	v24 =	vld.idx.msk @p2 [tilespmem:v25+s3+$0x0], $0xffff;
	[tilespmem:v55+s22+$0x0] =	vst.idx.msk $0xffff, v20  }
0x7b: {  	v14 =	vpsel p2, v14, v0;
	[tilespmem:v56+s22+$0x0] =	vst.idx.msk $0xffff, v16  }
0x7c: {  	v60 =	vadd.s32 v3, v12;
	[tilespmem:v31+s22+$0x0] =	vst.idx.msk @p2 $0xffff, v27;
	v20 =	vld.idx.msk [tilespmem:v26+s3+$0x0], $0xffff  }
0x7d: {  	v61 =	vadd.s32 v3, v13;
	v16 =	vld.idx.msk [tilespmem:v17+s3+$0x0], $0xffff;
	[tilespmem:v57+s22+$0x0] =	vst.idx.msk $0xffff, v19  }
0x7e: {  	v15 =	vadd.s32 v3, v15;
	[tilespmem:v58+s22+$0x0] =	vst.idx.msk $0xffff, v59;
	v17 =	vld.idx.msk [tilespmem:v54+s3+$0x0], $0xffff  }
0x7f: {  	v62 =	vadd.s32 v3, v33;
	[tilespmem:v34+s22+$0x0] =	vst.idx.msk @p2 $0xffff, v32;
	v19 =	vpsel p2, v24, v0;
	v18 =	vld.idx.msk [tilespmem:v18+s3+$0x0], $0xffff  }
0x80: {  	[tilespmem:v14+s22+$0x0] =	vst.idx.msk @p2 $0xffff, v19  }
0x81: {  	[tilespmem:v60+s22+$0x0] =	vst.idx.msk $0xffff, v20  }
0x82: {  	[tilespmem:v61+s22+$0x0] =	vst.idx.msk $0xffff, v16  }
0x83: {  	[tilespmem:v15+s22+$0x0] =	vst.idx.msk $0xffff, v17  }
0x84: {  	[tilespmem:v62+s22+$0x0] =	vst.idx.msk $0xffff, v18  }
0x85: {  	s23 =	rddreg [dreg:$0x4]  }
0x86: {  	[hbm4b:s23+s16] =	stream.linear.scatter [tilespmem:s22], [sflag:$0x1], $0x80, $0x38;
	[tilespmem:$0x12240] =	vst v63  }
0x87: {  	s24 =	simm.s32 $0x100C8;
	s7 =	sadd.s32 $0x10, s23  }
0x88: {  	[hbm4b:s7+s16] =	stream.linear.scatter [tilespmem:s24], [sflag:$0x1], $0x80, $0x38;
	[tilespmem:$0x12240] =	vst v63  }
0x89: {  	s30 =	simm.s32 $0x10150;
	s26 =	sadd.s32 $0x20, s23  }
0x8a: {  	[hbm4b:s26+s16] =	stream.linear.scatter [tilespmem:s30], [sflag:$0x1], $0x80, $0x38;
	[tilespmem:$0x12240] =	vst v63  }
0x8b: {  	s25 =	simm.s32 $0x101D8;
	s24 =	sadd.s32 $0x30, s23  }
0x8c: {  	[hbm4b:s24+s16] =	stream.linear.scatter [tilespmem:s25], [sflag:$0x1], $0x80, $0x38;
	[tilespmem:$0x12240] =	vst v63  }
0x8d: {  	s26 =	sadd.s32 $0x40, s23;
	s30 =	simm.s32 $0x10260  }
0x8e: {  	[hbm4b:s26+s16] =	stream.linear.scatter [tilespmem:s30], [sflag:$0x1], $0x80, $0x38;
	[tilespmem:$0x12240] =	vst v63  }
0x8f: {  	s24 =	sadd.s32 $0x50, s23;
	s25 =	simm.s32 $0x102E8  }
0x90: {  	[hbm4b:s24+s16] =	stream.linear.scatter [tilespmem:s25], [sflag:$0x1], $0x80, $0x38;
	[tilespmem:$0x12240] =	vst v63  }
0x91: {  	s26 =	sadd.s32 $0x60, s23;
	s30 =	simm.s32 $0x10370  }
0x92: {  	[hbm4b:s26+s16] =	stream.linear.scatter [tilespmem:s30], [sflag:$0x1], $0x80, $0x38;
	[tilespmem:$0x12240] =	vst v63  }
0x93: {  	s25 =	sadd.s32 $0x70, s23;
	s26 =	simm.s32 $0x103F8  }
0x94: {  	[hbm4b:s25+s16] =	stream.linear.scatter [tilespmem:s26], [sflag:$0x1], $0x80, $0x38;
	[tilespmem:$0x12240] =	vst v63  }
0x95: {  	s23 =	rddreg [dreg:$0x5];
	s30 =	simm.s32 $0x10480  }
0x96: {  	[hbm4b:s23+s16] =	stream.linear.scatter [tilespmem:s30], [sflag:$0x1], $0x80, $0x38;
	[tilespmem:$0x12240] =	vst v63  }
0x97: {  	s24 =	sadd.s32 $0x10, s23;
	s25 =	simm.s32 $0x10508  }
0x98: {  	[hbm4b:s24+s16] =	stream.linear.scatter [tilespmem:s25], [sflag:$0x1], $0x80, $0x38;
	[tilespmem:$0x12240] =	vst v63  }
0x99: {  	s26 =	sadd.s32 $0x20, s23;
	s30 =	simm.s32 $0x10590  }
0x9a: {  	[hbm4b:s26+s16] =	stream.linear.scatter [tilespmem:s30], [sflag:$0x1], $0x80, $0x38;
	[tilespmem:$0x12240] =	vst v63  }
0x9b: {  	s24 =	sadd.s32 $0x30, s23;
	s25 =	simm.s32 $0x10618  }
0x9c: {  	[hbm4b:s24+s16] =	stream.linear.scatter [tilespmem:s25], [sflag:$0x1], $0x80, $0x38;
	[tilespmem:$0x12240] =	vst v63  }
0x9d: {  	s26 =	sadd.s32 $0x40, s23;
	s30 =	simm.s32 $0x106A0  }
0x9e: {  	[hbm4b:s26+s16] =	stream.linear.scatter [tilespmem:s30], [sflag:$0x1], $0x80, $0x38;
	[tilespmem:$0x12240] =	vst v63  }
0x9f: {  	s24 =	sadd.s32 $0x50, s23;
	s25 =	simm.s32 $0x10728  }
0xa0: {  	[hbm4b:s24+s16] =	stream.linear.scatter [tilespmem:s25], [sflag:$0x1], $0x80, $0x38;
	[tilespmem:$0x12240] =	vst v63  }
0xa1: {  	s26 =	sadd.s32 $0x60, s23;
	s30 =	simm.s32 $0x107B0  }
0xa2: {  	[hbm4b:s26+s16] =	stream.linear.scatter [tilespmem:s30], [sflag:$0x1], $0x80, $0x38;
	[tilespmem:$0x12240] =	vst v63  }
0xa3: {  	s25 =	sadd.s32 $0x70, s23;
	s26 =	simm.s32 $0x10838  }
0xa4: {  	[hbm4b:s25+s16] =	stream.linear.scatter [tilespmem:s26], [sflag:$0x1], $0x80, $0x38;
	[tilespmem:$0x12240] =	vst v63  }
0xa5: {  	s23 =	rddreg [dreg:$0x6];
	s30 =	simm.s32 $0x108C0  }
0xa6: {  	[hbm4b:s23+s16] =	stream.linear.scatter [tilespmem:s30], [sflag:$0x1], $0x80, $0x38;
	[tilespmem:$0x12240] =	vst v63  }
0xa7: {  	s24 =	sadd.s32 $0x10, s23;
	s25 =	simm.s32 $0x10948  }
0xa8: {  	[hbm4b:s24+s16] =	stream.linear.scatter [tilespmem:s25], [sflag:$0x1], $0x80, $0x38;
	[tilespmem:$0x12240] =	vst v63  }
0xa9: {  	s26 =	sadd.s32 $0x20, s23;
	s30 =	simm.s32 $0x109D0  }
0xaa: {  	[hbm4b:s26+s16] =	stream.linear.scatter [tilespmem:s30], [sflag:$0x1], $0x80, $0x38;
	[tilespmem:$0x12240] =	vst v63  }
0xab: {  	s24 =	sadd.s32 $0x30, s23;
	s25 =	simm.s32 $0x10A58  }
0xac: {  	[hbm4b:s24+s16] =	stream.linear.scatter [tilespmem:s25], [sflag:$0x1], $0x80, $0x38;
	[tilespmem:$0x12240] =	vst v63  }
0xad: {  	s26 =	sadd.s32 $0x40, s23;
	s30 =	simm.s32 $0x10AE0  }
0xae: {  	[hbm4b:s26+s16] =	stream.linear.scatter [tilespmem:s30], [sflag:$0x1], $0x80, $0x38;
	[tilespmem:$0x12240] =	vst v63  }
0xaf: {  	s24 =	sadd.s32 $0x50, s23;
	s25 =	simm.s32 $0x10B68  }
0xb0: {  	[hbm4b:s24+s16] =	stream.linear.scatter [tilespmem:s25], [sflag:$0x1], $0x80, $0x38;
	[tilespmem:$0x12240] =	vst v63  }
0xb1: {  	s26 =	sadd.s32 $0x60, s23;
	s30 =	simm.s32 $0x10BF0  }
0xb2: {  	[hbm4b:s26+s16] =	stream.linear.scatter [tilespmem:s30], [sflag:$0x1], $0x80, $0x38;
	[tilespmem:$0x12240] =	vst v63  }
0xb3: {  	s23 =	sadd.s32 $0x70, s23;
	s24 =	simm.s32 $0x10C78  }
0xb4: {  	[hbm4b:s23+s16] =	stream.linear.scatter [tilespmem:s24], [sflag:$0x1], $0x80, $0x38;
	[tilespmem:$0x12240] =	vst v63  }
0xb5: {  	s25 =	simm.s32 $0x10D00;
	s23 =	rddreg [dreg:$0x7]  }
0xb6: {  	[hbm4b:s23+s16] =	stream.linear.scatter [tilespmem:s25], [sflag:$0x1], $0x80, $0x38;
	[tilespmem:$0x12240] =	vst v63  }
0xb7: {  	s30 =	simm.s32 $0x10D88;
	s26 =	sadd.s32 $0x10, s23  }
0xb8: {  	[hbm4b:s26+s16] =	stream.linear.scatter [tilespmem:s30], [sflag:$0x1], $0x80, $0x38;
	[tilespmem:$0x12240] =	vst v63  }
0xb9: {  	s24 =	sadd.s32 $0x20, s23;
	s25 =	simm.s32 $0x10E10  }
0xba: {  	[hbm4b:s24+s16] =	stream.linear.scatter [tilespmem:s25], [sflag:$0x1], $0x80, $0x38;
	[tilespmem:$0x12240] =	vst v63  }
0xbb: {  	s26 =	sadd.s32 $0x30, s23;
	s30 =	simm.s32 $0x10E98  }
0xbc: {  	[hbm4b:s26+s16] =	stream.linear.scatter [tilespmem:s30], [sflag:$0x1], $0x80, $0x38;
	[tilespmem:$0x12240] =	vst v63  }
0xbd: {  	s24 =	sadd.s32 $0x40, s23;
	s25 =	simm.s32 $0x10F20  }
0xbe: {  	[hbm4b:s24+s16] =	stream.linear.scatter [tilespmem:s25], [sflag:$0x1], $0x80, $0x38;
	[tilespmem:$0x12240] =	vst v63  }
0xbf: {  	s26 =	sadd.s32 $0x50, s23;
	s30 =	simm.s32 $0x10FA8  }
0xc0: {  	[hbm4b:s26+s16] =	stream.linear.scatter [tilespmem:s30], [sflag:$0x1], $0x80, $0x38;
	[tilespmem:$0x12240] =	vst v63  }
0xc1: {  	s24 =	sadd.s32 $0x60, s23;
	s25 =	simm.s32 $0x11030  }
0xc2: {  	[hbm4b:s24+s16] =	stream.linear.scatter [tilespmem:s25], [sflag:$0x1], $0x80, $0x38;
	[tilespmem:$0x12240] =	vst v63  }
0xc3: {  	s26 =	sadd.s32 $0x70, s23;
	s30 =	simm.s32 $0x110B8  }
0xc4: {  	[hbm4b:s26+s16] =	stream.linear.scatter [tilespmem:s30], [sflag:$0x1], $0x80, $0x38;
	[tilespmem:$0x12240] =	vst v63  }
0xc5: {  	v12 =	vld [tilespmem:s17+$0x9CC0];
	_ =	sdelay $0x4  }
.Ltmp7:
0xc6: {  	v10 =	vperm.xlane v12, v10;
	v8 =	vperm.xlane v12, v8;
	(pc) =	sbr.rel @!p1 .LBB2_12-.Ltmp7, $4  }
0xc7: {  	v63 =	vperm.xlane v12, v11  }
0xc8: {  	v9 =	vperm.xlane v12, v9;
	v26 =	vmul.u32 $0x28, v10;
	v11 =	vmul.u32 $0x28, v8  }
0xc9: {  	v10 =	vmul.u32 $0x28, v63  }
0xca: {  	v18 =	vmul.u32 $0x28, v9;
	v16 =	vadd.s32 v0, v26;
	v9 =	vadd.s32 v0, v11  }
0xcb: {  	s7 =	sand.u32 $0x1C0, s29  }
0xcc: {  	s7 =	sshrl.u32 s7, $0x2  }
0xcd: {  	v32 =	vadd.s32 v2, v26;
	v17 =	vadd.s32 v1, v4;
	v13 =	vadd.s32 v1, v5;
	v15 =	vld [tilespmem:s7+$0x9CC0]  }
0xce: {  	s16 =	simm.s32 $0x4;
	v20 =	vmov s28;
	v21 =	vadd.s32 v0, v10;
	v25 =	vadd.s32 v1, v6  }
0xcf: {  	s25 =	simm.s32 $0x5;
	v30 =	vadd.s32 v2, v18;
	v8 =	vmov s16;
	v19 =	vadd.s32 v0, v18  }
0xd0: {  	s29 =	simm.s32 $0x6;
	s17 =	sand.u32 $0xD, s25;
	v14 =	vmov s25;
	s26 =	sand.u32 $0xC, s16;
	v12 =	vand.u32 $0x7C, v8;
	v8 =	vand.u32 $0x7E, v7  }
0xd1: {  	v16 =	vld.idx.msk [tilespmem:v16+s3+$0x0], $0xffff;
	p2 =	por $0x1, $0x1;
	s30 =	sand.u32 $0xE, s29;
	v7 =	vmov s17;
	v14 =	vand.u32 $0x7D, v14;
	v18 =	vmov s26  }
.Ltmp8:
0xd2: {  	v22 =	vmov s30;
	v18 =	vperm.xlane v15, v18;
	v7 =	vperm.xlane v15, v7;
	(pc) =	sbr.rel @!p2 .LBB2_14-.Ltmp8, $4  }
0xd3: {  	v31 =	vadd.s32 v1, v8;
	v23 =	vperm.xlane v15, v22;
	v24 =	vperm.xlane v15, v20  }
0xd4: {  	v27 =	vld.idx.msk [tilespmem:v9+s3+$0x0], $0xffff;
	v15 =	vand.u32 $0x7F, v20;
	v26 =	vmul.u32 $0x28, v18;
	v33 =	vmul.u32 $0x28, v7  }
0xd5: {  	v22 =	vadd.s32 v2, v11;
	v20 =	vmul.u32 $0x28, v23;
	v18 =	vmul.u32 $0x28, v24;
	v23 =	vld.idx.msk [tilespmem:v19+s3+$0x0], $0xffff  }
0xd6: {  	p1 =	por $0x1, $0x1;
	s16 =	simm.s32 $0x20;
	s7 =	simm.s32 $0xB;
	[tilespmem:v17+s1+$0x0] =	vst.idx.msk $0xffff, v16;
	v7 =	vmov s29;
	v24 =	vld.idx.msk [tilespmem:v21+s3+$0x0], $0xffff;
	v16 =	vadd.s32 v0, v26;
	v9 =	vadd.s32 v0, v33  }
0xd7: {  	_ =	sdelay $0x2  }
0xd8: {  	s16 =	sand.u32 $0x1C0, s16  }
0xd9: {  	v21 =	vadd.s32 v2, v26;
	v19 =	vadd.s32 v2, v18;
	v11 =	vld.idx.msk [tilespmem:v32+s3+$0x0], $0xffff;
	v26 =	vadd.s32 v3, v4;
	s16 =	sshrl.u32 s16, $0x2  }
0xda: {  	s17 =	simm.s32 $0x8;
	v10 =	vadd.s32 v2, v10;
	v63 =	vadd.s32 v3, v5;
	[tilespmem:v13+s1+$0x0] =	vst.idx.msk $0xffff, v27;
	v27 =	vld [tilespmem:s16+$0x9CC0]  }
0xdb: {  	v34 =	vadd.s32 v3, v6;
	v35 =	vadd.s32 v1, v12;
	v17 =	vmov s17  }
0xdc: {  	s26 =	simm.s32 $0x9;
	v36 =	vadd.s32 v0, v18;
	v4 =	vand.u32 $0x7C, v17;
	v17 =	vadd.s32 v3, v8  }
0xdd: {  	s23 =	sand.u32 $0xD, s26;
	v5 =	vmov s26;
	s28 =	sand.u32 $0xC, s17;
	v13 =	vadd.s32 v1, v14;
	v8 =	vand.u32 $0x7E, v7;
	v18 =	vld.idx.msk [tilespmem:v22+s3+$0x0], $0xffff;
	[tilespmem:v25+s1+$0x0] =	vst.idx.msk $0xffff, v23  }
0xde: {  	s29 =	simm.s32 $0xA;
	v7 =	vld.idx.msk [tilespmem:v16+s3+$0x0], $0xffff;
	v6 =	vmov s23;
	v16 =	vmov s28;
	[tilespmem:v31+s1+$0x0] =	vst.idx.msk $0xffff, v24;
	v24 =	vadd.s32 v0, v20  }
0xdf: {  	p2 =	por $0x1, $0x1;
	s30 =	sand.u32 $0xE, s29;
	v5 =	vand.u32 $0x7D, v5;
	v22 =	vmov s7;
	v30 =	vld.idx.msk [tilespmem:v30+s3+$0x0], $0xffff;
	[tilespmem:v26+s1+$0x0] =	vst.idx.msk $0xffff, v11;
	v11 =	vperm.xlane v27, v16  }
.Ltmp9:
0xe0: {  	v29 =	vld.idx.msk [tilespmem:v10+s3+$0x0], $0xffff;
	v16 =	vperm.xlane v27, v6;
	v6 =	vmov s30;
	v23 =	vperm.xlane v27, v22;
	(pc) =	sbr.rel @!p2 .LBB2_16-.Ltmp9, $4  }
0xe1: {  	v28 =	vadd.s32 v1, v8;
	v25 =	vadd.s32 v1, v15;
	v10 =	vperm.xlane v27, v6;
	v27 =	vld.idx.msk [tilespmem:v9+s3+$0x0], $0xffff  }
0xe2: {  	[tilespmem:v63+s1+$0x0] =	vst.idx.msk $0xffff, v18;
	v26 =	vmul.u32 $0x28, v11;
	v11 =	vmul.u32 $0x28, v16;
	v18 =	vmul.u32 $0x28, v23;
	v23 =	vld.idx.msk [tilespmem:v36+s3+$0x0], $0xffff  }
0xe3: {  	[tilespmem:v35+s1+$0x0] =	vst.idx.msk $0xffff, v7;
	v7 =	vmov s29;
	v6 =	vand.u32 $0x7F, v22;
	v22 =	vadd.s32 v2, v33;
	v24 =	vld.idx.msk [tilespmem:v24+s3+$0x0], $0xffff  }
0xe4: {  	p0 =	por $0x1, $0x1;
	s16 =	simm.s32 $0x30;
	s7 =	simm.s32 $0xF;
	[tilespmem:v34+s1+$0x0] =	vst.idx.msk $0xffff, v30;
	v10 =	vmul.u32 $0x28, v10;
	v16 =	vadd.s32 v0, v26;
	v9 =	vadd.s32 v0, v11  }
.LBB2_17:
0xe5: {  	s17 =	sadd.s32 $0xFFFFFFFD, s7;
	s23 =	sand.u32 $0x1C0, s16;
	v30 =	vadd.s32 v2, v18;
	v31 =	vld.idx.msk [tilespmem:v21+s3+$0x0], $0xffff;
	v21 =	vadd.s32 v2, v26;
	[tilespmem:v17+s1+$0x0] =	vst.idx.msk $0xffff, v29  }
0xe6: {  	v26 =	vadd.s32 v3, v12;
	v12 =	vmovc v4;
	s23 =	sshrl.u32 s23, $0x2;
	v17 =	vmov s17;
	p2 =	slt.u32 s17, $0x7C;
	[tilespmem:v13+s1+$0x0] =	vst.idx.msk $0xffff, v27;
	v27 =	vadd.s32 v2, v20  }
0xe7: {  	v33 =	vadd.s32 v3, v14;
	v34 =	vadd.s32 v3, v15;
	v14 =	vmovc v5;
	v15 =	vmovc v6;
	v32 =	vld [tilespmem:s23+$0x9CC0];
	v4 =	vand.u32 $0x7C, v17  }
0xe8: {  	v36 =	vadd.s32 v0, v18;
	v35 =	vadd.s32 v1, v12;
	s23 =	sadd.s32 $0xFFFFFFFE, s7;
	v17 =	vadd.s32 v3, v8;
	v18 =	vld.idx.msk [tilespmem:v22+s3+$0x0], $0xffff  }
0xe9: {  	v13 =	vadd.s32 v1, v14;
	v20 =	vmovc v10;
	v8 =	vand.u32 $0x7E, v7;
	s24 =	sand.u32 $0xD, s23;
	v5 =	vmov s23;
	v16 =	vld.idx.msk [tilespmem:v16+s3+$0x0], $0xffff;
	[tilespmem:v25+s1+$0x0] =	vst.idx.msk $0xffff, v23  }
0xea: {  	s17 =	sand.u32 $0xC, s17;
	s23 =	sadd.s32 $0xFFFFFFFF, s7;
	v6 =	vmov s24;
	v5 =	vand.u32 $0x7D, v5;
	[tilespmem:v28+s1+$0x0] =	vst.idx.msk $0xffff, v24;
	v28 =	vadd.s32 v1, v8;
	v37 =	vld.idx.msk [tilespmem:v19+s3+$0x0], $0xffff;
	v19 =	vmovc v30  }
0xeb: {  	v10 =	vmov s7;
	v7 =	vmov s17;
	s17 =	sand.u32 $0xE, s23;
	v24 =	vadd.s32 v0, v20;
	[tilespmem:v26+s1+$0x0] =	vst.idx.msk $0xffff, v31;
	v29 =	vld.idx.msk [tilespmem:v27+s3+$0x0], $0xffff  }
.Ltmp10:
0xec: {  	v7 =	vperm.xlane v32, v7;
	v23 =	vperm.xlane v32, v6;
	v6 =	vmov s17;
	v27 =	vld.idx.msk [tilespmem:v9+s3+$0x0], $0xffff;
	(pc) =	sbr.rel @p2 .LBB2_17-.Ltmp10, $4  }
0xed: {  	v25 =	vperm.xlane v32, v10;
	v9 =	vperm.xlane v32, v6;
	v6 =	vand.u32 $0x7F, v10  }
0xee: {  	v22 =	vadd.s32 v2, v11;
	v26 =	vmul.u32 $0x28, v7;
	v11 =	vmul.u32 $0x28, v23;
	[tilespmem:v33+s1+$0x0] =	vst.idx.msk $0xffff, v18  }
0xef: {  	v18 =	vmul.u32 $0x28, v25;
	v25 =	vadd.s32 v1, v15;
	v10 =	vmul.u32 $0x28, v9;
	[tilespmem:v35+s1+$0x0] =	vst.idx.msk $0xffff, v16;
	v23 =	vld.idx.msk [tilespmem:v36+s3+$0x0], $0xffff  }
0xf0: {  	s16 =	sadd.s32 $0x10, s16;
	s7 =	sadd.s32 $0x4, s7;
	v7 =	vmov s23;
	v16 =	vadd.s32 v0, v26;
	v9 =	vadd.s32 v0, v11;
	v24 =	vld.idx.msk [tilespmem:v24+s3+$0x0], $0xffff;
	[tilespmem:v34+s1+$0x0] =	vst.idx.msk $0xffff, v37  }
0xf1: {  	v32 =	vmov v21;
	v34 =	vmov v12  }
0xf2: {  	v35 =	vmovc v20;
	v36 =	vmovc v14;
	v21 =	vmov v15;
	v31 =	vmov v28;
	v30 =	vmov v19  }
.LBB2_19:
0xf3: {  	_ =	sdelay $0x3  }
0xf4: {  	v12 =	vld.idx.msk @p1 [tilespmem:v32+s3+$0x0], $0xffff;
	v52 =	vadd.s32 v0, v18  }
0xf5: {  	[tilespmem:v13+s1+$0x0] =	vst.idx.msk @p1 $0xffff, v27;
	v14 =	vadd.s32 @p1 v3, v34;
	v19 =	vadd.s32 v0, v10;
	v16 =	vld.idx.msk [tilespmem:v16+s3+$0x0], $0xffff  }
0xf6: {  	v20 =	vadd.s32 @p1 v2, v35;
	v53 =	vadd.s32 v2, v26;
	v55 =	vadd.s32 v1, v4;
	v9 =	vld.idx.msk [tilespmem:v9+s3+$0x0], $0xffff  }
0xf7: {  	v54 =	vadd.s32 v2, v18;
	v56 =	vadd.s32 v1, v5;
	v15 =	vld.idx.msk @p1 [tilespmem:v22+s3+$0x0], $0xffff;
	[tilespmem:v25+s1+$0x0] =	vst.idx.msk @p1 $0xffff, v23  }
0xf8: {  	[tilespmem:v17+s1+$0x0] =	vst.idx.msk @p0 $0xffff, v29;
	v7 =	vand.u32 $0x7E, v7;
	v22 =	vadd.s32 @p1 v3, v36;
	v26 =	vld.idx.msk @p1 [tilespmem:v30+s3+$0x0], $0xffff  }
0xf9: {  	v11 =	vadd.s32 v2, v11;
	v57 =	vadd.s32 v1, v6;
	[tilespmem:v31+s1+$0x0] =	vst.idx.msk @p1 $0xffff, v24;
	v13 =	vld.idx.msk [tilespmem:v52+s3+$0x0], $0xffff  }
0xfa: {  	v21 =	vadd.s32 @p1 v3, v21;
	v58 =	vadd.s32 v1, v7;
	[tilespmem:v14+s1+$0x0] =	vst.idx.msk @p1 $0xffff, v12;
	v59 =	vld.idx.msk [tilespmem:v19+s3+$0x0], $0xffff  }
0xfb: {  	v8 =	vadd.s32 @p1 v3, v8;
	v60 =	vadd.s32 v2, v10;
	v14 =	vld.idx.msk @p1 [tilespmem:v20+s3+$0x0], $0xffff;
	[tilespmem:v55+s1+$0x0] =	vst.idx.msk $0xffff, v16  }
0xfc: {  	v8 =	vpsel p1, v8, v0;
	[tilespmem:v56+s1+$0x0] =	vst.idx.msk $0xffff, v9  }
0xfd: {  	v4 =	vadd.s32 v3, v4;
	[tilespmem:v22+s1+$0x0] =	vst.idx.msk @p1 $0xffff, v15;
	v61 =	vld.idx.msk [tilespmem:v53+s3+$0x0], $0xffff  }
0xfe: {  	v5 =	vadd.s32 v3, v5;
	v9 =	vld.idx.msk [tilespmem:v11+s3+$0x0], $0xffff;
	[tilespmem:v57+s1+$0x0] =	vst.idx.msk $0xffff, v13  }
0xff: {  	v62 =	vadd.s32 v3, v6;
	[tilespmem:v58+s1+$0x0] =	vst.idx.msk $0xffff, v59;
	v63 =	vld.idx.msk [tilespmem:v54+s3+$0x0], $0xffff  }
0x100: {  	v7 =	vadd.s32 v3, v7;
	[tilespmem:v21+s1+$0x0] =	vst.idx.msk @p1 $0xffff, v26;
	v12 =	vpsel p1, v14, v0;
	v10 =	vld.idx.msk [tilespmem:v60+s3+$0x0], $0xffff  }
0x101: {  	[tilespmem:v8+s1+$0x0] =	vst.idx.msk @p1 $0xffff, v12  }
0x102: {  	[tilespmem:v4+s1+$0x0] =	vst.idx.msk $0xffff, v61  }
0x103: {  	[tilespmem:v5+s1+$0x0] =	vst.idx.msk $0xffff, v9  }
0x104: {  	[tilespmem:v62+s1+$0x0] =	vst.idx.msk $0xffff, v63  }
0x105: {  	[tilespmem:v7+s1+$0x0] =	vst.idx.msk $0xffff, v10  }
0x106: {  	s16 =	rddreg [dreg:$0x8]  }
0x107: {  	[hbm4b:s16+s3] =	stream.linear.scatter [tilespmem:s1], [sflag:$0x2], $0x80, $0x38;
	[tilespmem:$0x12240] =	vst v63  }
0x108: {  	s17 =	simm.s32 $0x111C8;
	s7 =	sadd.s32 $0x10, s16  }
0x109: {  	[hbm4b:s7+s3] =	stream.linear.scatter [tilespmem:s17], [sflag:$0x2], $0x80, $0x38;
	[tilespmem:$0x12240] =	vst v63  }
0x10a: {  	s30 =	simm.s32 $0x11250;
	s29 =	sadd.s32 $0x20, s16  }
0x10b: {  	[hbm4b:s29+s3] =	stream.linear.scatter [tilespmem:s30], [sflag:$0x2], $0x80, $0x38;
	[tilespmem:$0x12240] =	vst v63  }
0x10c: {  	s23 =	simm.s32 $0x112D8;
	s17 =	sadd.s32 $0x30, s16  }
0x10d: {  	[hbm4b:s17+s3] =	stream.linear.scatter [tilespmem:s23], [sflag:$0x2], $0x80, $0x38;
	[tilespmem:$0x12240] =	vst v63  }
0x10e: {  	s25 =	simm.s32 $0x11360;
	s24 =	sadd.s32 $0x40, s16  }
0x10f: {  	[hbm4b:s24+s3] =	stream.linear.scatter [tilespmem:s25], [sflag:$0x2], $0x80, $0x38;
	[tilespmem:$0x12240] =	vst v63  }
0x110: {  	s28 =	simm.s32 $0x113E8;
	s26 =	sadd.s32 $0x50, s16  }
0x111: {  	[hbm4b:s26+s3] =	stream.linear.scatter [tilespmem:s28], [sflag:$0x2], $0x80, $0x38;
	[tilespmem:$0x12240] =	vst v63  }
0x112: {  	s29 =	sadd.s32 $0x60, s16;
	s30 =	simm.s32 $0x11470  }
0x113: {  	[hbm4b:s29+s3] =	stream.linear.scatter [tilespmem:s30], [sflag:$0x2], $0x80, $0x38;
	[tilespmem:$0x12240] =	vst v63  }
0x114: {  	s23 =	sadd.s32 $0x70, s16;
	s24 =	simm.s32 $0x114F8  }
0x115: {  	[hbm4b:s23+s3] =	stream.linear.scatter [tilespmem:s24], [sflag:$0x2], $0x80, $0x38;
	[tilespmem:$0x12240] =	vst v63  }
0x116: {  	s16 =	rddreg [dreg:$0x9];
	s25 =	simm.s32 $0x11580  }
0x117: {  	[hbm4b:s16+s3] =	stream.linear.scatter [tilespmem:s25], [sflag:$0x2], $0x80, $0x38;
	[tilespmem:$0x12240] =	vst v63  }
0x118: {  	s26 =	sadd.s32 $0x10, s16;
	s28 =	simm.s32 $0x11608  }
0x119: {  	[hbm4b:s26+s3] =	stream.linear.scatter [tilespmem:s28], [sflag:$0x2], $0x80, $0x38;
	[tilespmem:$0x12240] =	vst v63  }
0x11a: {  	s29 =	sadd.s32 $0x20, s16;
	s30 =	simm.s32 $0x11690  }
0x11b: {  	[hbm4b:s29+s3] =	stream.linear.scatter [tilespmem:s30], [sflag:$0x2], $0x80, $0x38;
	[tilespmem:$0x12240] =	vst v63  }
0x11c: {  	s17 =	sadd.s32 $0x30, s16;
	s23 =	simm.s32 $0x11718  }
0x11d: {  	[hbm4b:s17+s3] =	stream.linear.scatter [tilespmem:s23], [sflag:$0x2], $0x80, $0x38;
	[tilespmem:$0x12240] =	vst v63  }
0x11e: {  	s24 =	sadd.s32 $0x40, s16;
	s25 =	simm.s32 $0x117A0  }
0x11f: {  	[hbm4b:s24+s3] =	stream.linear.scatter [tilespmem:s25], [sflag:$0x2], $0x80, $0x38;
	[tilespmem:$0x12240] =	vst v63  }
0x120: {  	s26 =	sadd.s32 $0x50, s16;
	s28 =	simm.s32 $0x11828  }
0x121: {  	[hbm4b:s26+s3] =	stream.linear.scatter [tilespmem:s28], [sflag:$0x2], $0x80, $0x38;
	[tilespmem:$0x12240] =	vst v63  }
0x122: {  	s29 =	sadd.s32 $0x60, s16;
	s30 =	simm.s32 $0x118B0  }
0x123: {  	[hbm4b:s29+s3] =	stream.linear.scatter [tilespmem:s30], [sflag:$0x2], $0x80, $0x38;
	[tilespmem:$0x12240] =	vst v63  }
0x124: {  	s23 =	sadd.s32 $0x70, s16;
	s24 =	simm.s32 $0x11938  }
0x125: {  	[hbm4b:s23+s3] =	stream.linear.scatter [tilespmem:s24], [sflag:$0x2], $0x80, $0x38;
	[tilespmem:$0x12240] =	vst v63  }
0x126: {  	s16 =	rddreg [dreg:$0xa];
	s25 =	simm.s32 $0x119C0  }
0x127: {  	[hbm4b:s16+s3] =	stream.linear.scatter [tilespmem:s25], [sflag:$0x2], $0x80, $0x38;
	[tilespmem:$0x12240] =	vst v63  }
0x128: {  	s26 =	sadd.s32 $0x10, s16;
	s28 =	simm.s32 $0x11A48  }
0x129: {  	[hbm4b:s26+s3] =	stream.linear.scatter [tilespmem:s28], [sflag:$0x2], $0x80, $0x38;
	[tilespmem:$0x12240] =	vst v63  }
0x12a: {  	s29 =	sadd.s32 $0x20, s16;
	s30 =	simm.s32 $0x11AD0  }
0x12b: {  	[hbm4b:s29+s3] =	stream.linear.scatter [tilespmem:s30], [sflag:$0x2], $0x80, $0x38;
	[tilespmem:$0x12240] =	vst v63  }
0x12c: {  	s23 =	sadd.s32 $0x30, s16;
	s24 =	simm.s32 $0x11B58  }
0x12d: {  	[hbm4b:s23+s3] =	stream.linear.scatter [tilespmem:s24], [sflag:$0x2], $0x80, $0x38;
	[tilespmem:$0x12240] =	vst v63  }
0x12e: {  	s25 =	sadd.s32 $0x40, s16;
	s26 =	simm.s32 $0x11BE0  }
0x12f: {  	[hbm4b:s25+s3] =	stream.linear.scatter [tilespmem:s26], [sflag:$0x2], $0x80, $0x38;
	[tilespmem:$0x12240] =	vst v63  }
0x130: {  	s28 =	sadd.s32 $0x50, s16;
	s29 =	simm.s32 $0x11C68  }
0x131: {  	[hbm4b:s28+s3] =	stream.linear.scatter [tilespmem:s29], [sflag:$0x2], $0x80, $0x38;
	[tilespmem:$0x12240] =	vst v63  }
0x132: {  	s30 =	sadd.s32 $0x60, s16  }
0x133: {  	[hbm4b:s30+s3] =	stream.linear.scatter [tilespmem:s31], [sflag:$0x2], $0x80, $0x38;
	[tilespmem:$0x12240] =	vst v63  }
0x134: {  	s16 =	sadd.s32 $0x70, s16  }
0x135: {  	[hbm4b:s16+s3] =	stream.linear.scatter [tilespmem:s0], [sflag:$0x2], $0x80, $0x38;
	[tilespmem:$0x12240] =	vst v63  }
0x136: {  	s17 =	rddreg [dreg:$0xb]  }
0x137: {  	[hbm4b:s17+s3] =	stream.linear.scatter [tilespmem:s19], [sflag:$0x2], $0x80, $0x38;
	[tilespmem:$0x12240] =	vst v63  }
0x138: {  	s23 =	sadd.s32 $0x10, s17  }
0x139: {  	[hbm4b:s23+s3] =	stream.linear.scatter [tilespmem:s20], [sflag:$0x2], $0x80, $0x38;
	[tilespmem:$0x12240] =	vst v63  }
0x13a: {  	s24 =	sadd.s32 $0x20, s17  }
0x13b: {  	[hbm4b:s24+s3] =	stream.linear.scatter [tilespmem:s21], [sflag:$0x2], $0x80, $0x38;
	[tilespmem:$0x12240] =	vst v63  }
0x13c: {  	s25 =	sadd.s32 $0x30, s17  }
0x13d: {  	[hbm4b:s25+s3] =	stream.linear.scatter [tilespmem:s5], [sflag:$0x2], $0x80, $0x38;
	[tilespmem:$0x12240] =	vst v63  }
0x13e: {  	s26 =	sadd.s32 $0x40, s17  }
0x13f: {  	[hbm4b:s26+s3] =	stream.linear.scatter [tilespmem:s18], [sflag:$0x2], $0x80, $0x38;
	[tilespmem:$0x12240] =	vst v63  }
0x140: {  	s28 =	sadd.s32 $0x50, s17  }
0x141: {  	[hbm4b:s28+s3] =	stream.linear.scatter [tilespmem:s11], [sflag:$0x2], $0x80, $0x38;
	[tilespmem:$0x12240] =	vst v63  }
0x142: {  	s29 =	sadd.s32 $0x60, s17  }
0x143: {  	[hbm4b:s29+s3] =	stream.linear.scatter [tilespmem:s12], [sflag:$0x2], $0x80, $0x38;
	[tilespmem:$0x12240] =	vst v63  }
0x144: {  	s30 =	sadd.s32 $0x70, s17;
	s16 =	simm.s32 $0x1  }
0x145: {  	[hbm4b:s30+s3] =	stream.linear.scatter [tilespmem:s13], [sflag:$0x2], $0x80, $0x38;
	[tilespmem:$0x12240] =	vst v63  }
.LBB2_20:
0x146: {  	_ =	swait.ge [sflag:s14], $0x400  }
0x147: {  	[sflag:s14] =	ssyncset.done $0x0  }
0x148: {  	[sflag:s14] =	ssyncadd.s32 $0xFFFFFC00  }
0x149: {  	_ =	swait.ge [sflag:s14], $0x400  }
0x14a: {  	s7 =	sshll.u32 s16, $0x8;
	[sflag:s14] =	ssyncset.done $0x0  }
0x14b: {  	s7 =	sand.u32 $0x3FFFFF00, s7;
	[sflag:s14] =	ssyncadd.s32 $0xFFFFFC00  }
0x14c: {  	s7 =	sadd.s32 $0x9C40, s7;
	_ =	swait.ge [sflag:s14], $0x400  }
0x14d: {  	v12 =	vmov s7;
	[sflag:s14] =	ssyncset.done $0x0  }
0x14e: {  	[sflag:s14] =	ssyncadd.s32 $0xFFFFFC00  }
0x14f: {  	s23 =	simm.s32 $0x0;
	_ =	swait.ge [sflag:s14], $0x400  }
0x150: {  	s28 =	sand.u32 $0x1C0, s23;
	[sflag:s14] =	ssyncset.done $0x0  }
0x151: {  	s7 =	sshrl.u32 s28, $0x2;
	[sflag:s14] =	ssyncadd.s32 $0xFFFFFC00  }
0x152: {  	v6 =	vld.idx.msk [tilespmem:v12+s7+$0x0 ss:$0x1], $0xffff;
	_ =	sdelay $0x1  }
0x153: {  	s17 =	simm.s32 $0x0;
	s24 =	simm.s32 $0x1  }
0x154: {  	s25 =	sand.u32 $0xD, s24;
	s26 =	sand.u32 $0xC, s17;
	s28 =	simm.s32 $0x2  }
0x155: {  	p1 =	por $0x1, $0x1;
	v4 =	vmov s17;
	v8 =	vmov s25;
	v9 =	vmov s26;
	s29 =	sand.u32 $0xE, s28  }
.Ltmp11:
0x156: {  	s30 =	simm.s32 $0x3;
	v10 =	vmov s29;
	v7 =	vperm.xlane v6, v9;
	v11 =	vperm.xlane v6, v8;
	(pc) =	sbr.rel @!p1 .LBB2_21-.Ltmp11, $4  }
0x157: {  	v5 =	vand.u32 $0x7C, v4;
	v4 =	vmov s30;
	v14 =	vperm.xlane v6, v10  }
0x158: {  	v15 =	vperm.xlane v6, v4;
	v27 =	vmul.u32 $0x28, v7;
	v13 =	vmul.u32 $0x28, v11  }
0x159: {  	p2 =	por $0x0, $0x0;
	v6 =	vmov s24;
	v7 =	vmov s28;
	v17 =	vmul.u32 $0x28, v14  }
0x15a: {  	p0 =	por $0x0, $0x0;
	s17 =	simm.s32 $0x7;
	s24 =	simm.s32 $0x10;
	v15 =	vmul.u32 $0x28, v15;
	v22 =	vadd.s32 v0, v27;
	v11 =	vadd.s32 v0, v13  }
0x15b: {  	_ =	sdelay $0x1  }
0x15c: {  	s25 =	sand.u32 $0x1C0, s24  }
0x15d: {  	s25 =	sshrl.u32 s25, $0x2  }
0x15e: {  	v43 =	vadd.s32 v2, v27;
	v35 =	vand.u32 $0x7E, v7;
	v40 =	vand.u32 $0x7D, v6;
	v14 =	vld.idx.msk [tilespmem:v12+s25+$0x0 ss:$0x1], $0xffff  }
0x15f: {  	s26 =	simm.s32 $0x4;
	v39 =	vadd.s32 v3, v5;
	v18 =	vld.idx.msk [tilespmem:v22+s3+$0x0], $0xffff;
	v20 =	vadd.s32 v1, v5;
	v46 =	vmov s17  }
0x160: {  	v23 =	vadd.s32 v0, v17;
	v45 =	vadd.s32 v2, v15;
	v16 =	vmov s26;
	s25 =	simm.s32 $0x5  }
0x161: {  	s29 =	simm.s32 $0x6;
	v44 =	vadd.s32 v1, v35;
	v41 =	vadd.s32 v1, v40;
	s26 =	sand.u32 $0xC, s26;
	v22 =	vadd.s32 v0, v15;
	s28 =	sand.u32 $0xD, s25  }
0x162: {  	p3 =	por $0x1, $0x1;
	s30 =	sand.u32 $0xE, s29;
	v31 =	vand.u32 $0x7C, v16;
	v15 =	vmov s26;
	v16 =	vmov s28  }
.Ltmp12:
0x163: {  	v21 =	vmov s30;
	v15 =	vperm.xlane v14, v15;
	v19 =	vperm.xlane v14, v16;
	(pc) =	sbr.rel @!p3 .LBB2_23-.Ltmp12, $4  }
0x164: {  	v33 =	vmov s29;
	[tilespmem:v20+s22+$0x0] =	vst.idx.msk $0xffff, v18;
	v20 =	vand.u32 $0x7F, v4;
	v21 =	vperm.xlane v14, v21  }
0x165: {  	v38 =	vld.idx.msk [tilespmem:v23+s3+$0x0], $0xffff;
	v24 =	vperm.xlane v14, v46;
	v27 =	vmul.u32 $0x28, v15;
	v19 =	vmul.u32 $0x28, v19  }
0x166: {  	v29 =	vld.idx.msk [tilespmem:v22+s3+$0x0], $0xffff;
	v34 =	vadd.s32 v1, v20;
	v16 =	vmov s25;
	v21 =	vmul.u32 $0x28, v21  }
0x167: {  	p2 =	por $0x1, $0x1;
	s26 =	simm.s32 $0x20;
	v14 =	vld.idx.msk [tilespmem:v11+s3+$0x0], $0xffff;
	s25 =	simm.s32 $0xB;
	v15 =	vmul.u32 $0x28, v24;
	v22 =	vadd.s32 v0, v27;
	v11 =	vadd.s32 v0, v19  }
0x168: {  	_ =	sdelay $0x2  }
0x169: {  	s26 =	sand.u32 $0x1C0, s26;
	v23 =	vadd.s32 v2, v27;
	v25 =	vand.u32 $0x7E, v33  }
0x16a: {  	v17 =	vadd.s32 v2, v17;
	v42 =	vand.u32 $0x7D, v16;
	v13 =	vadd.s32 v2, v13;
	v30 =	vld.idx.msk [tilespmem:v43+s3+$0x0], $0xffff;
	s26 =	sshrl.u32 s26, $0x2  }
0x16b: {  	v26 =	vadd.s32 v3, v31;
	v59 =	vadd.s32 v3, v20;
	v61 =	vadd.s32 v0, v21;
	v27 =	vld.idx.msk [tilespmem:v12+s26+$0x0 ss:$0x1], $0xffff  }
0x16c: {  	s28 =	simm.s32 $0x8;
	v24 =	vadd.s32 v2, v15;
	v32 =	vadd.s32 v1, v25;
	v36 =	vadd.s32 v1, v42  }
0x16d: {  	v22 =	vld.idx.msk [tilespmem:v22+s3+$0x0], $0xffff;
	v18 =	vmov s28;
	v58 =	vadd.s32 v0, v15;
	s26 =	simm.s32 $0x9;
	[tilespmem:v34+s22+$0x0] =	vst.idx.msk $0xffff, v29;
	v29 =	vadd.s32 v1, v31  }
0x16e: {  	v20 =	vand.u32 $0x7F, v46;
	s28 =	sand.u32 $0xC, s28;
	v37 =	vand.u32 $0x7C, v18;
	v18 =	vadd.s32 v3, v40;
	[tilespmem:v44+s22+$0x0] =	vst.idx.msk $0xffff, v38;
	s29 =	sand.u32 $0xD, s26;
	v57 =	vld.idx.msk [tilespmem:v45+s3+$0x0], $0xffff  }
0x16f: {  	p4 =	por $0x1, $0x1;
	v15 =	vmov s28;
	v31 =	vadd.s32 v3, v35;
	v16 =	vmov s29;
	s29 =	simm.s32 $0xA;
	[tilespmem:v41+s22+$0x0] =	vst.idx.msk $0xffff, v14;
	v60 =	vld.idx.msk [tilespmem:v17+s3+$0x0], $0xffff  }
.Ltmp13:
0x170: {  	v28 =	vmov s25;
	s30 =	sand.u32 $0xE, s29;
	[tilespmem:v39+s22+$0x0] =	vst.idx.msk $0xffff, v30;
	v30 =	vld.idx.msk [tilespmem:v13+s3+$0x0], $0xffff;
	v15 =	vperm.xlane v27, v15;
	v17 =	vperm.xlane v27, v16;
	(pc) =	sbr.rel @!p4 .LBB2_25-.Ltmp13, $4  }
0x171: {  	v34 =	vadd.s32 v1, v20;
	v38 =	vld.idx.msk [tilespmem:v61+s3+$0x0], $0xffff;
	v14 =	vmov s30;
	v63 =	vperm.xlane v27, v28  }
0x172: {  	v62 =	vperm.xlane v27, v14;
	v14 =	vld.idx.msk [tilespmem:v11+s3+$0x0], $0xffff;
	[tilespmem:v29+s22+$0x0] =	vst.idx.msk $0xffff, v22;
	v27 =	vmul.u32 $0x28, v15;
	v13 =	vmul.u32 $0x28, v17  }
0x173: {  	v33 =	vmov s29;
	v16 =	vmov s26;
	v29 =	vld.idx.msk [tilespmem:v58+s3+$0x0], $0xffff;
	v15 =	vmul.u32 $0x28, v63;
	[tilespmem:v59+s22+$0x0] =	vst.idx.msk $0xffff, v57  }
0x174: {  	s25 =	simm.s32 $0xF;
	p3 =	por $0x1, $0x1;
	s26 =	simm.s32 $0x30;
	v17 =	vmul.u32 $0x28, v62;
	[tilespmem:v31+s22+$0x0] =	vst.idx.msk $0xffff, v60;
	v22 =	vadd.s32 v0, v27;
	v11 =	vadd.s32 v0, v13  }
.LBB2_26:
0x175: {  	s28 =	sadd.s32 $0xFFFFFFFD, s25;
	s29 =	sand.u32 $0x1C0, s26;
	v27 =	vadd.s32 v2, v27;
	v31 =	vand.u32 $0x7E, v33;
	v33 =	vadd.s32 v2, v15;
	[tilespmem:v18+s22+$0x0] =	vst.idx.msk $0xffff, v30  }
0x176: {  	v39 =	vadd.s32 v2, v21;
	v21 =	vmovc v17;
	s29 =	sshrl.u32 s29, $0x2;
	v18 =	vmov s28;
	p4 =	slt.u32 s28, $0x7C;
	v35 =	vadd.s32 v1, v31;
	v30 =	vld.idx.msk [tilespmem:v23+s3+$0x0], $0xffff;
	v23 =	vmovc v27  }
0x177: {  	v40 =	vand.u32 $0x7D, v16;
	v41 =	vadd.s32 v2, v19;
	v19 =	vmovc v13;
	v17 =	vld.idx.msk [tilespmem:v12+s29+$0x0 ss:$0x1], $0xffff;
	v27 =	vand.u32 $0x7C, v18  }
0x178: {  	v13 =	vadd.s32 v3, v37  }
0x179: {  	v43 =	vadd.s32 v1, v40;
	s29 =	sadd.s32 $0xFFFFFFFE, s25;
	v18 =	vadd.s32 v3, v42;
	v22 =	vld.idx.msk [tilespmem:v22+s3+$0x0], $0xffff;
	[tilespmem:v34+s22+$0x0] =	vst.idx.msk $0xffff, v29  }
0x17a: {  	v44 =	vadd.s32 v3, v25;
	s30 =	sand.u32 $0xD, s29;
	v16 =	vmov s29;
	v29 =	vadd.s32 v1, v37;
	[tilespmem:v32+s22+$0x0] =	vst.idx.msk $0xffff, v38;
	v38 =	vld.idx.msk [tilespmem:v24+s3+$0x0], $0xffff  }
0x17b: {  	v45 =	vadd.s32 v3, v20;
	s28 =	sand.u32 $0xC, s28;
	s29 =	sadd.s32 $0xFFFFFFFF, s25;
	v42 =	vmov s30;
	v34 =	vadd.s32 v0, v15;
	[tilespmem:v36+s22+$0x0] =	vst.idx.msk $0xffff, v14;
	v39 =	vld.idx.msk [tilespmem:v39+s3+$0x0], $0xffff  }
0x17c: {  	v46 =	vadd.s32 v0, v21;
	v25 =	vmovc v31;
	v15 =	vmov s25;
	v24 =	vmovc v33;
	v14 =	vmov s28;
	s28 =	sand.u32 $0xE, s29;
	[tilespmem:v26+s22+$0x0] =	vst.idx.msk $0xffff, v30;
	v30 =	vld.idx.msk [tilespmem:v41+s3+$0x0], $0xffff  }
.Ltmp14:
0x17d: {  	v37 =	vmovc v27;
	v32 =	vmovc v35;
	v20 =	vperm.xlane v17, v14;
	v31 =	vperm.xlane v17, v42;
	v41 =	vmov s28;
	v14 =	vld.idx.msk [tilespmem:v11+s3+$0x0], $0xffff;
	(pc) =	sbr.rel @p4 .LBB2_26-.Ltmp14, $4  }
0x17e: {  	v33 =	vmov s29;
	v35 =	vperm.xlane v17, v15;
	v42 =	vmovc v40;
	v26 =	vmovc v13;
	v11 =	vperm.xlane v17, v41  }
0x17f: {  	v36 =	vmovc v43;
	v27 =	vmul.u32 $0x28, v20;
	v13 =	vmul.u32 $0x28, v31;
	v20 =	vand.u32 $0x7F, v28;
	v28 =	vmovc v15;
	[tilespmem:v29+s22+$0x0] =	vst.idx.msk $0xffff, v22  }
0x180: {  	v15 =	vmul.u32 $0x28, v35;
	v17 =	vmul.u32 $0x28, v11;
	v29 =	vld.idx.msk [tilespmem:v34+s3+$0x0], $0xffff;
	v34 =	vadd.s32 v1, v20;
	[tilespmem:v45+s22+$0x0] =	vst.idx.msk $0xffff, v38  }
0x181: {  	s26 =	sadd.s32 $0x10, s26;
	s25 =	sadd.s32 $0x4, s25;
	v22 =	vadd.s32 v0, v27;
	v11 =	vadd.s32 v0, v13;
	v38 =	vld.idx.msk [tilespmem:v46+s3+$0x0], $0xffff;
	[tilespmem:v44+s22+$0x0] =	vst.idx.msk $0xffff, v39  }
0x182: {  	v43 =	vmov v23  }
0x183: {  	v23 =	vmovc v21;
	v12 =	vmovc v19;
	v31 =	vmov v37;
	v40 =	vmov v42;
	v44 =	vmov v32  }
0x184: {  	v35 =	vmovc v25;
	v45 =	vmovc v24;
	v41 =	vmov v36;
	v39 =	vmov v26;
	v46 =	vmov v28  }
.LBB2_28:
0x185: {  	_ =	sdelay $0x2  }
0x186: {  	v19 =	vadd.s32 @p2 v2, v23  }
0x187: {  	v21 =	vadd.s32 v0, v15;
	v23 =	vld.idx.msk @p2 [tilespmem:v43+s3+$0x0], $0xffff  }
0x188: {  	v24 =	vadd.s32 v0, v17;
	v25 =	vadd.s32 v2, v27;
	v22 =	vld.idx.msk [tilespmem:v22+s3+$0x0], $0xffff;
	[tilespmem:v34+s22+$0x0] =	vst.idx.msk @p2 $0xffff, v29  }
0x189: {  	v12 =	vadd.s32 @p2 v2, v12;
	v26 =	vadd.s32 v1, v31;
	v15 =	vadd.s32 v2, v15;
	v11 =	vld.idx.msk [tilespmem:v11+s3+$0x0], $0xffff  }
0x18a: {  	v20 =	vadd.s32 @p2 v3, v20;
	v16 =	vand.u32 $0x7D, v16;
	[tilespmem:v44+s22+$0x0] =	vst.idx.msk @p2 $0xffff, v38;
	v27 =	vld.idx.msk @p2 [tilespmem:v45+s3+$0x0], $0xffff  }
0x18b: {  	v28 =	vand.u32 $0x7F, v46;
	v59 =	vand.u32 $0x7E, v33;
	[tilespmem:v18+s22+$0x0] =	vst.idx.msk @p3 $0xffff, v30;
	v32 =	vadd.s32 v1, v16;
	v19 =	vld.idx.msk @p2 [tilespmem:v19+s3+$0x0], $0xffff  }
0x18c: {  	[tilespmem:v41+s22+$0x0] =	vst.idx.msk @p2 $0xffff, v14;
	v13 =	vadd.s32 v2, v13;
	v60 =	vld.idx.msk [tilespmem:v21+s3+$0x0], $0xffff;
	v21 =	vadd.s32 v1, v28  }
0x18d: {  	v62 =	vadd.s32 v2, v17;
	v61 =	vadd.s32 v1, v59;
	v14 =	vld.idx.msk [tilespmem:v24+s3+$0x0], $0xffff;
	[tilespmem:v39+s22+$0x0] =	vst.idx.msk @p2 $0xffff, v23  }
0x18e: {  	v24 =	vadd.s32 @p2 v3, v40;
	v23 =	vadd.s32 @p2 v3, v35;
	v12 =	vld.idx.msk @p2 [tilespmem:v12+s3+$0x0], $0xffff;
	[tilespmem:v26+s22+$0x0] =	vst.idx.msk $0xffff, v22  }
0x18f: {  	[tilespmem:v20+s22+$0x0] =	vst.idx.msk @p2 $0xffff, v27;
	v20 =	vpsel p2, v24, v0  }
0x190: {  	v22 =	vadd.s32 v3, v31;
	v24 =	vld.idx.msk [tilespmem:v25+s3+$0x0], $0xffff;
	[tilespmem:v32+s22+$0x0] =	vst.idx.msk $0xffff, v11  }
0x191: {  	v16 =	vadd.s32 v3, v16;
	v13 =	vld.idx.msk [tilespmem:v13+s3+$0x0], $0xffff;
	[tilespmem:v21+s22+$0x0] =	vst.idx.msk $0xffff, v60  }
0x192: {  	[tilespmem:v61+s22+$0x0] =	vst.idx.msk $0xffff, v14;
	v14 =	vld.idx.msk [tilespmem:v15+s3+$0x0], $0xffff;
	v15 =	vadd.s32 v3, v28  }
0x193: {  	v63 =	vadd.s32 v3, v59;
	[tilespmem:v23+s22+$0x0] =	vst.idx.msk @p2 $0xffff, v19;
	v12 =	vpsel p2, v12, v0;
	v11 =	vld.idx.msk [tilespmem:v62+s3+$0x0], $0xffff  }
0x194: {  	[tilespmem:v20+s22+$0x0] =	vst.idx.msk @p2 $0xffff, v12  }
0x195: {  	s25 =	sshll.u32 s16, $0x12;
	[tilespmem:v22+s22+$0x0] =	vst.idx.msk $0xffff, v24  }
0x196: {  	s25 =	sor.u32 s6, s25;
	[tilespmem:v16+s22+$0x0] =	vst.idx.msk $0xffff, v13  }
0x197: {  	s25 =	sshrl.u32 s25, $0x3;
	[tilespmem:v15+s22+$0x0] =	vst.idx.msk $0xffff, v14  }
0x198: {  	s26 =	sadd.s32 s2, s25;
	[tilespmem:v63+s22+$0x0] =	vst.idx.msk $0xffff, v11  }
0x199: {  	[hbm4b:s26+s23] =	stream.linear.scatter [tilespmem:s22], [sflag:$0x1], $0x80, $0x38;
	[tilespmem:$0x12240] =	vst v63  }
0x19a: {  	s29 =	simm.s32 $0x100C8;
	s28 =	sadd.s32 $0x10, s26  }
0x19b: {  	[hbm4b:s28+s23] =	stream.linear.scatter [tilespmem:s29], [sflag:$0x1], $0x80, $0x38;
	[tilespmem:$0x12240] =	vst v63  }
0x19c: {  	s30 =	simm.s32 $0x10150;
	s28 =	sadd.s32 $0x20, s26  }
0x19d: {  	[hbm4b:s28+s23] =	stream.linear.scatter [tilespmem:s30], [sflag:$0x1], $0x80, $0x38;
	[tilespmem:$0x12240] =	vst v63  }
0x19e: {  	s28 =	sadd.s32 $0x30, s26;
	s30 =	simm.s32 $0x101D8  }
0x19f: {  	[hbm4b:s28+s23] =	stream.linear.scatter [tilespmem:s30], [sflag:$0x1], $0x80, $0x38;
	[tilespmem:$0x12240] =	vst v63  }
0x1a0: {  	s28 =	sadd.s32 $0x40, s26;
	s30 =	simm.s32 $0x10260  }
0x1a1: {  	[hbm4b:s28+s23] =	stream.linear.scatter [tilespmem:s30], [sflag:$0x1], $0x80, $0x38;
	[tilespmem:$0x12240] =	vst v63  }
0x1a2: {  	s28 =	sadd.s32 $0x50, s26;
	s30 =	simm.s32 $0x102E8  }
0x1a3: {  	[hbm4b:s28+s23] =	stream.linear.scatter [tilespmem:s30], [sflag:$0x1], $0x80, $0x38;
	[tilespmem:$0x12240] =	vst v63  }
0x1a4: {  	s28 =	sadd.s32 $0x60, s26;
	s30 =	simm.s32 $0x10370  }
0x1a5: {  	[hbm4b:s28+s23] =	stream.linear.scatter [tilespmem:s30], [sflag:$0x1], $0x80, $0x38;
	[tilespmem:$0x12240] =	vst v63  }
0x1a6: {  	s26 =	sadd.s32 $0x70, s26;
	s30 =	simm.s32 $0x103F8  }
0x1a7: {  	[hbm4b:s26+s23] =	stream.linear.scatter [tilespmem:s30], [sflag:$0x1], $0x80, $0x38;
	[tilespmem:$0x12240] =	vst v63  }
0x1a8: {  	s29 =	simm.s32 $0x10480;
	s26 =	sadd.s32 s25, s8  }
0x1a9: {  	[hbm4b:s26+s23] =	stream.linear.scatter [tilespmem:s29], [sflag:$0x1], $0x80, $0x38;
	[tilespmem:$0x12240] =	vst v63  }
0x1aa: {  	s30 =	simm.s32 $0x10508;
	s28 =	sadd.s32 $0x10, s26  }
0x1ab: {  	[hbm4b:s28+s23] =	stream.linear.scatter [tilespmem:s30], [sflag:$0x1], $0x80, $0x38;
	[tilespmem:$0x12240] =	vst v63  }
0x1ac: {  	s28 =	sadd.s32 $0x20, s26;
	s30 =	simm.s32 $0x10590  }
0x1ad: {  	[hbm4b:s28+s23] =	stream.linear.scatter [tilespmem:s30], [sflag:$0x1], $0x80, $0x38;
	[tilespmem:$0x12240] =	vst v63  }
0x1ae: {  	s28 =	sadd.s32 $0x30, s26;
	s30 =	simm.s32 $0x10618  }
0x1af: {  	[hbm4b:s28+s23] =	stream.linear.scatter [tilespmem:s30], [sflag:$0x1], $0x80, $0x38;
	[tilespmem:$0x12240] =	vst v63  }
0x1b0: {  	s28 =	sadd.s32 $0x40, s26;
	s30 =	simm.s32 $0x106A0  }
0x1b1: {  	[hbm4b:s28+s23] =	stream.linear.scatter [tilespmem:s30], [sflag:$0x1], $0x80, $0x38;
	[tilespmem:$0x12240] =	vst v63  }
0x1b2: {  	s28 =	sadd.s32 $0x50, s26;
	s30 =	simm.s32 $0x10728  }
0x1b3: {  	[hbm4b:s28+s23] =	stream.linear.scatter [tilespmem:s30], [sflag:$0x1], $0x80, $0x38;
	[tilespmem:$0x12240] =	vst v63  }
0x1b4: {  	s28 =	sadd.s32 $0x60, s26;
	s30 =	simm.s32 $0x107B0  }
0x1b5: {  	[hbm4b:s28+s23] =	stream.linear.scatter [tilespmem:s30], [sflag:$0x1], $0x80, $0x38;
	[tilespmem:$0x12240] =	vst v63  }
0x1b6: {  	s26 =	sadd.s32 $0x70, s26;
	s30 =	simm.s32 $0x10838  }
0x1b7: {  	[hbm4b:s26+s23] =	stream.linear.scatter [tilespmem:s30], [sflag:$0x1], $0x80, $0x38;
	[tilespmem:$0x12240] =	vst v63  }
0x1b8: {  	s29 =	simm.s32 $0x108C0;
	s26 =	sadd.s32 s25, s9  }
0x1b9: {  	[hbm4b:s26+s23] =	stream.linear.scatter [tilespmem:s29], [sflag:$0x1], $0x80, $0x38;
	[tilespmem:$0x12240] =	vst v63  }
0x1ba: {  	s30 =	simm.s32 $0x10948;
	s28 =	sadd.s32 $0x10, s26  }
0x1bb: {  	[hbm4b:s28+s23] =	stream.linear.scatter [tilespmem:s30], [sflag:$0x1], $0x80, $0x38;
	[tilespmem:$0x12240] =	vst v63  }
0x1bc: {  	s28 =	sadd.s32 $0x20, s26;
	s30 =	simm.s32 $0x109D0  }
0x1bd: {  	[hbm4b:s28+s23] =	stream.linear.scatter [tilespmem:s30], [sflag:$0x1], $0x80, $0x38;
	[tilespmem:$0x12240] =	vst v63  }
0x1be: {  	s28 =	sadd.s32 $0x30, s26;
	s30 =	simm.s32 $0x10A58  }
0x1bf: {  	[hbm4b:s28+s23] =	stream.linear.scatter [tilespmem:s30], [sflag:$0x1], $0x80, $0x38;
	[tilespmem:$0x12240] =	vst v63  }
0x1c0: {  	s28 =	sadd.s32 $0x40, s26;
	s30 =	simm.s32 $0x10AE0  }
0x1c1: {  	[hbm4b:s28+s23] =	stream.linear.scatter [tilespmem:s30], [sflag:$0x1], $0x80, $0x38;
	[tilespmem:$0x12240] =	vst v63  }
0x1c2: {  	s28 =	sadd.s32 $0x50, s26;
	s30 =	simm.s32 $0x10B68  }
0x1c3: {  	[hbm4b:s28+s23] =	stream.linear.scatter [tilespmem:s30], [sflag:$0x1], $0x80, $0x38;
	[tilespmem:$0x12240] =	vst v63  }
0x1c4: {  	s28 =	sadd.s32 $0x60, s26;
	s30 =	simm.s32 $0x10BF0  }
0x1c5: {  	[hbm4b:s28+s23] =	stream.linear.scatter [tilespmem:s30], [sflag:$0x1], $0x80, $0x38;
	[tilespmem:$0x12240] =	vst v63  }
0x1c6: {  	s26 =	sadd.s32 $0x70, s26;
	s30 =	simm.s32 $0x10C78  }
0x1c7: {  	[hbm4b:s26+s23] =	stream.linear.scatter [tilespmem:s30], [sflag:$0x1], $0x80, $0x38;
	[tilespmem:$0x12240] =	vst v63  }
0x1c8: {  	s25 =	sadd.s32 s25, s10;
	s28 =	simm.s32 $0x10D00  }
0x1c9: {  	[hbm4b:s25+s23] =	stream.linear.scatter [tilespmem:s28], [sflag:$0x1], $0x80, $0x38;
	[tilespmem:$0x12240] =	vst v63  }
0x1ca: {  	s29 =	sadd.s32 $0x10, s25;
	s30 =	simm.s32 $0x10D88  }
0x1cb: {  	[hbm4b:s29+s23] =	stream.linear.scatter [tilespmem:s30], [sflag:$0x1], $0x80, $0x38;
	[tilespmem:$0x12240] =	vst v63  }
0x1cc: {  	s29 =	sadd.s32 $0x20, s25;
	s30 =	simm.s32 $0x10E10  }
0x1cd: {  	[hbm4b:s29+s23] =	stream.linear.scatter [tilespmem:s30], [sflag:$0x1], $0x80, $0x38;
	[tilespmem:$0x12240] =	vst v63  }
0x1ce: {  	s29 =	sadd.s32 $0x30, s25;
	s30 =	simm.s32 $0x10E98  }
0x1cf: {  	[hbm4b:s29+s23] =	stream.linear.scatter [tilespmem:s30], [sflag:$0x1], $0x80, $0x38;
	[tilespmem:$0x12240] =	vst v63  }
0x1d0: {  	s29 =	sadd.s32 $0x40, s25;
	s30 =	simm.s32 $0x10F20  }
0x1d1: {  	[hbm4b:s29+s23] =	stream.linear.scatter [tilespmem:s30], [sflag:$0x1], $0x80, $0x38;
	[tilespmem:$0x12240] =	vst v63  }
0x1d2: {  	s29 =	sadd.s32 $0x50, s25;
	s30 =	simm.s32 $0x10FA8  }
0x1d3: {  	[hbm4b:s29+s23] =	stream.linear.scatter [tilespmem:s30], [sflag:$0x1], $0x80, $0x38;
	[tilespmem:$0x12240] =	vst v63  }
0x1d4: {  	s29 =	sadd.s32 $0x60, s25;
	s30 =	simm.s32 $0x11030  }
0x1d5: {  	[hbm4b:s29+s23] =	stream.linear.scatter [tilespmem:s30], [sflag:$0x1], $0x80, $0x38;
	[tilespmem:$0x12240] =	vst v63  }
0x1d6: {  	s25 =	sadd.s32 $0x70, s25;
	s29 =	simm.s32 $0x110B8  }
0x1d7: {  	[hbm4b:s25+s23] =	stream.linear.scatter [tilespmem:s29], [sflag:$0x1], $0x80, $0x38;
	[tilespmem:$0x12240] =	vst v63  }
0x1d8: {  	_ =	swait.ge [sflag:s15], $0x400  }
0x1d9: {  	[sflag:s15] =	ssyncset.done $0x0  }
0x1da: {  	[sflag:s15] =	ssyncadd.s32 $0xFFFFFC00  }
0x1db: {  	s23 =	sshllo.u32 s16, $0x1;
	_ =	swait.ge [sflag:s15], $0x400  }
0x1dc: {  	s30 =	sshll.u32 s23, $0x7;
	[sflag:s15] =	ssyncset.done $0x0  }
0x1dd: {  	s25 =	sand.u32 $0x3FFFFF80, s30;
	[sflag:s15] =	ssyncadd.s32 $0xFFFFFC00  }
0x1de: {  	s25 =	sadd.s32 $0x9C40, s25;
	_ =	swait.ge [sflag:s15], $0x400  }
0x1df: {  	v11 =	vmov s25;
	[sflag:s15] =	ssyncset.done $0x0  }
0x1e0: {  	[sflag:s15] =	ssyncadd.s32 $0xFFFFFC00  }
0x1e1: {  	_ =	swait.ge [sflag:s15], $0x400  }
0x1e2: {  	[sflag:s15] =	ssyncset.done $0x0  }
0x1e3: {  	[sflag:s15] =	ssyncadd.s32 $0xFFFFFC00  }
0x1e4: {  	v12 =	vld.idx.msk [tilespmem:v11+s7+$0x0 ss:$0x1], $0xffff;
	_ =	sdelay $0x4  }
.Ltmp15:
0x1e5: {  	v9 =	vperm.xlane v12, v9;
	v8 =	vperm.xlane v12, v8;
	(pc) =	sbr.rel @!p1 .LBB2_29-.Ltmp15, $4  }
0x1e6: {  	v13 =	vperm.xlane v12, v10  }
0x1e7: {  	v12 =	vperm.xlane v12, v4;
	v26 =	vmul.u32 $0x28, v9;
	v10 =	vmul.u32 $0x28, v8  }
0x1e8: {  	v13 =	vmul.u32 $0x28, v13  }
0x1e9: {  	v12 =	vmul.u32 $0x28, v12;
	v21 =	vadd.s32 v0, v26;
	v8 =	vadd.s32 v0, v10  }
0x1ea: {  	_ =	sdelay $0x1  }
0x1eb: {  	s7 =	sand.u32 $0x1C0, s24  }
0x1ec: {  	s7 =	sshrl.u32 s7, $0x2  }
0x1ed: {  	v35 =	vadd.s32 v2, v26;
	v28 =	vand.u32 $0x7E, v7;
	v32 =	vand.u32 $0x7D, v6;
	v7 =	vld.idx.msk [tilespmem:v11+s7+$0x0 ss:$0x1], $0xffff  }
0x1ee: {  	v31 =	vadd.s32 v3, v5;
	v5 =	vadd.s32 v1, v5;
	v38 =	vmov s17  }
0x1ef: {  	s26 =	simm.s32 $0x4;
	s28 =	simm.s32 $0x5;
	v19 =	vadd.s32 v0, v13;
	v17 =	vand.u32 $0x7F, v4;
	v37 =	vadd.s32 v2, v12  }
0x1f0: {  	v15 =	vld.idx.msk [tilespmem:v21+s3+$0x0], $0xffff;
	v9 =	vmov s26;
	v36 =	vadd.s32 v1, v28;
	s25 =	sand.u32 $0xD, s28;
	s24 =	sand.u32 $0xC, s26;
	v18 =	vadd.s32 v0, v12  }
0x1f1: {  	s29 =	simm.s32 $0x6;
	p2 =	por $0x1, $0x1;
	v39 =	vand.u32 $0x7C, v9;
	v6 =	vmov s25;
	v9 =	vmov s24  }
.Ltmp16:
0x1f2: {  	v33 =	vadd.s32 v1, v32;
	s30 =	sand.u32 $0xE, s29;
	v12 =	vperm.xlane v7, v9;
	v14 =	vperm.xlane v7, v6;
	(pc) =	sbr.rel @!p2 .LBB2_31-.Ltmp16, $4  }
0x1f3: {  	v27 =	vadd.s32 v1, v17;
	v9 =	vmov s30;
	v20 =	vperm.xlane v7, v38  }
0x1f4: {  	v30 =	vld.idx.msk [tilespmem:v19+s3+$0x0], $0xffff;
	v16 =	vperm.xlane v7, v9;
	v26 =	vmul.u32 $0x28, v12;
	v14 =	vmul.u32 $0x28, v14  }
0x1f5: {  	[tilespmem:v5+s1+$0x0] =	vst.idx.msk $0xffff, v15;
	v23 =	vld.idx.msk [tilespmem:v18+s3+$0x0], $0xffff;
	v6 =	vmov s28;
	v7 =	vmov s29;
	v12 =	vmul.u32 $0x28, v20  }
0x1f6: {  	s17 =	simm.s32 $0x20;
	p1 =	por $0x1, $0x1;
	s7 =	simm.s32 $0xB;
	v9 =	vld.idx.msk [tilespmem:v8+s3+$0x0], $0xffff;
	v16 =	vmul.u32 $0x28, v16;
	v21 =	vadd.s32 v0, v26;
	v8 =	vadd.s32 v0, v14  }
0x1f7: {  	_ =	sdelay $0x2  }
0x1f8: {  	s17 =	sand.u32 $0x1C0, s17;
	v18 =	vadd.s32 v2, v26;
	v20 =	vand.u32 $0x7E, v7  }
0x1f9: {  	v19 =	vadd.s32 v2, v12;
	v7 =	vadd.s32 v2, v13;
	v34 =	vand.u32 $0x7D, v6;
	v25 =	vld.idx.msk [tilespmem:v35+s3+$0x0], $0xffff;
	s17 =	sshrl.u32 s17, $0x2  }
0x1fa: {  	v10 =	vadd.s32 v2, v10;
	v22 =	vadd.s32 v3, v39;
	v15 =	vadd.s32 v3, v32;
	v13 =	vld.idx.msk [tilespmem:v11+s17+$0x0 ss:$0x1], $0xffff  }
0x1fb: {  	s24 =	simm.s32 $0x8;
	s28 =	simm.s32 $0x9;
	v28 =	vadd.s32 v3, v28;
	v60 =	vadd.s32 v3, v17;
	v17 =	vand.u32 $0x7F, v38  }
0x1fc: {  	v21 =	vld.idx.msk [tilespmem:v21+s3+$0x0], $0xffff;
	v4 =	vmov s24;
	v24 =	vadd.s32 v1, v20;
	s25 =	sand.u32 $0xD, s28;
	[tilespmem:v27+s1+$0x0] =	vst.idx.msk $0xffff, v23;
	v23 =	vadd.s32 v1, v39  }
0x1fd: {  	s29 =	simm.s32 $0xA;
	s24 =	sand.u32 $0xC, s24;
	v62 =	vadd.s32 v0, v16;
	[tilespmem:v36+s1+$0x0] =	vst.idx.msk $0xffff, v30;
	v6 =	vmov s25;
	v27 =	vadd.s32 v0, v12;
	v30 =	vld.idx.msk [tilespmem:v37+s3+$0x0], $0xffff  }
0x1fe: {  	p2 =	por $0x1, $0x1;
	s30 =	sand.u32 $0xE, s29;
	v5 =	vand.u32 $0x7C, v4;
	v4 =	vmov s7;
	[tilespmem:v33+s1+$0x0] =	vst.idx.msk $0xffff, v9;
	v61 =	vld.idx.msk [tilespmem:v7+s3+$0x0], $0xffff;
	v7 =	vmov s24  }
.Ltmp17:
0x1ff: {  	v9 =	vmov s30;
	[tilespmem:v31+s1+$0x0] =	vst.idx.msk $0xffff, v25;
	v25 =	vld.idx.msk [tilespmem:v10+s3+$0x0], $0xffff;
	v7 =	vperm.xlane v13, v7;
	v12 =	vperm.xlane v13, v6;
	(pc) =	sbr.rel @!p2 .LBB2_33-.Ltmp17, $4  }
0x200: {  	v29 =	vadd.s32 v1, v34;
	v31 =	vperm.xlane v13, v9;
	v63 =	vperm.xlane v13, v4  }
0x201: {  	v6 =	vmov s28;
	v9 =	vld.idx.msk [tilespmem:v8+s3+$0x0], $0xffff;
	[tilespmem:v23+s1+$0x0] =	vst.idx.msk $0xffff, v21;
	v26 =	vmul.u32 $0x28, v7;
	v10 =	vmul.u32 $0x28, v12  }
0x202: {  	v23 =	vld.idx.msk [tilespmem:v27+s3+$0x0], $0xffff;
	v27 =	vadd.s32 v1, v17;
	v13 =	vmul.u32 $0x28, v31;
	v12 =	vmul.u32 $0x28, v63;
	[tilespmem:v60+s1+$0x0] =	vst.idx.msk $0xffff, v30  }
0x203: {  	p0 =	por $0x1, $0x1;
	s7 =	simm.s32 $0xF;
	s17 =	simm.s32 $0x30;
	v7 =	vmov s29;
	v30 =	vld.idx.msk [tilespmem:v62+s3+$0x0], $0xffff;
	[tilespmem:v28+s1+$0x0] =	vst.idx.msk $0xffff, v61;
	v21 =	vadd.s32 v0, v26;
	v8 =	vadd.s32 v0, v10  }
.LBB2_34:
0x204: {  	s24 =	sadd.s32 $0xFFFFFFFD, s7;
	s25 =	sand.u32 $0x1C0, s17;
	v26 =	vadd.s32 v2, v26;
	v7 =	vand.u32 $0x7E, v7;
	v28 =	vadd.s32 v2, v12;
	[tilespmem:v15+s1+$0x0] =	vst.idx.msk $0xffff, v25  }
0x205: {  	v32 =	vadd.s32 v2, v16;
	v16 =	vmovc v13;
	s25 =	sshrl.u32 s25, $0x2;
	v15 =	vmov s24;
	p2 =	slt.u32 s24, $0x7C;
	v31 =	vadd.s32 v1, v7;
	v25 =	vld.idx.msk [tilespmem:v18+s3+$0x0], $0xffff;
	v18 =	vmovc v26  }
0x206: {  	v33 =	vand.u32 $0x7D, v6;
	v35 =	vadd.s32 v2, v14;
	v14 =	vmovc v10;
	v13 =	vld.idx.msk [tilespmem:v11+s25+$0x0 ss:$0x1], $0xffff;
	v26 =	vand.u32 $0x7C, v15  }
0x207: {  	v10 =	vadd.s32 v3, v5  }
0x208: {  	v36 =	vadd.s32 v1, v33;
	s25 =	sadd.s32 $0xFFFFFFFE, s7;
	v15 =	vadd.s32 v3, v34;
	v21 =	vld.idx.msk [tilespmem:v21+s3+$0x0], $0xffff;
	[tilespmem:v27+s1+$0x0] =	vst.idx.msk $0xffff, v23  }
0x209: {  	v37 =	vadd.s32 v3, v20;
	s26 =	sand.u32 $0xD, s25;
	v6 =	vmov s25;
	v23 =	vadd.s32 v1, v5;
	[tilespmem:v24+s1+$0x0] =	vst.idx.msk $0xffff, v30;
	v30 =	vld.idx.msk [tilespmem:v19+s3+$0x0], $0xffff  }
0x20a: {  	v38 =	vadd.s32 v3, v17;
	s24 =	sand.u32 $0xC, s24;
	s25 =	sadd.s32 $0xFFFFFFFF, s7;
	v34 =	vmov s26;
	v27 =	vadd.s32 v0, v12;
	[tilespmem:v29+s1+$0x0] =	vst.idx.msk $0xffff, v9;
	v32 =	vld.idx.msk [tilespmem:v32+s3+$0x0], $0xffff  }
0x20b: {  	v39 =	vadd.s32 v0, v16;
	v20 =	vmovc v7;
	v12 =	vmov s7;
	v19 =	vmovc v28;
	v9 =	vmov s24;
	s24 =	sand.u32 $0xE, s25;
	[tilespmem:v22+s1+$0x0] =	vst.idx.msk $0xffff, v25;
	v25 =	vld.idx.msk [tilespmem:v35+s3+$0x0], $0xffff  }
.Ltmp18:
0x20c: {  	v5 =	vmovc v26;
	v24 =	vmovc v31;
	v17 =	vperm.xlane v13, v9;
	v28 =	vperm.xlane v13, v34;
	v7 =	vmov s24;
	v9 =	vld.idx.msk [tilespmem:v8+s3+$0x0], $0xffff;
	(pc) =	sbr.rel @p2 .LBB2_34-.Ltmp18, $4  }
0x20d: {  	v31 =	vperm.xlane v13, v12;
	v34 =	vmovc v33;
	v22 =	vmovc v10;
	v8 =	vperm.xlane v13, v7;
	v7 =	vmov s25  }
0x20e: {  	v29 =	vmovc v36;
	v26 =	vmul.u32 $0x28, v17;
	v10 =	vmul.u32 $0x28, v28;
	v17 =	vand.u32 $0x7F, v4;
	v4 =	vmovc v12;
	[tilespmem:v23+s1+$0x0] =	vst.idx.msk $0xffff, v21  }
0x20f: {  	v12 =	vmul.u32 $0x28, v31;
	v13 =	vmul.u32 $0x28, v8;
	v23 =	vld.idx.msk [tilespmem:v27+s3+$0x0], $0xffff;
	v27 =	vadd.s32 v1, v17;
	[tilespmem:v38+s1+$0x0] =	vst.idx.msk $0xffff, v30  }
0x210: {  	s17 =	sadd.s32 $0x10, s17;
	s7 =	sadd.s32 $0x4, s7;
	v21 =	vadd.s32 v0, v26;
	v8 =	vadd.s32 v0, v10;
	v30 =	vld.idx.msk [tilespmem:v39+s3+$0x0], $0xffff;
	[tilespmem:v37+s1+$0x0] =	vst.idx.msk $0xffff, v32  }
0x211: {  	v35 =	vmovc v18;
	v18 =	vmov v16;
	v11 =	vmov v14;
	v32 =	vmov v34  }
0x212: {  	v36 =	vmovc v24;
	v28 =	vmovc v20;
	v37 =	vmov v19;
	v33 =	vmov v29;
	v31 =	vmov v22  }
.LBB2_36:
0x213: {  	_ =	sdelay $0x2  }
0x214: {  	v14 =	vadd.s32 @p1 v2, v18  }
0x215: {  	v16 =	vadd.s32 v0, v12;
	v18 =	vld.idx.msk @p1 [tilespmem:v35+s3+$0x0], $0xffff  }
0x216: {  	v19 =	vadd.s32 v0, v13;
	v21 =	vld.idx.msk [tilespmem:v21+s3+$0x0], $0xffff;
	v11 =	vadd.s32 @p1 v2, v11  }
0x217: {  	v22 =	vadd.s32 v1, v5;
	v6 =	vand.u32 $0x7D, v6;
	v8 =	vld.idx.msk [tilespmem:v8+s3+$0x0], $0xffff;
	[tilespmem:v27+s1+$0x0] =	vst.idx.msk @p1 $0xffff, v23  }
0x218: {  	v20 =	vadd.s32 v2, v26;
	v58 =	vadd.s32 v1, v6;
	[tilespmem:v36+s1+$0x0] =	vst.idx.msk @p1 $0xffff, v30;
	v23 =	vld.idx.msk @p1 [tilespmem:v37+s3+$0x0], $0xffff  }
0x219: {  	v17 =	vadd.s32 @p1 v3, v17;
	v4 =	vand.u32 $0x7F, v4;
	v7 =	vand.u32 $0x7E, v7;
	[tilespmem:v15+s1+$0x0] =	vst.idx.msk @p0 $0xffff, v25;
	v14 =	vld.idx.msk @p1 [tilespmem:v14+s3+$0x0], $0xffff  }
0x21a: {  	[tilespmem:v33+s1+$0x0] =	vst.idx.msk @p1 $0xffff, v9;
	v10 =	vadd.s32 v2, v10;
	v57 =	vadd.s32 v1, v4;
	v56 =	vld.idx.msk [tilespmem:v16+s3+$0x0], $0xffff  }
0x21b: {  	v55 =	vadd.s32 v2, v12;
	v24 =	vadd.s32 v1, v7;
	v59 =	vld.idx.msk [tilespmem:v19+s3+$0x0], $0xffff;
	[tilespmem:v31+s1+$0x0] =	vst.idx.msk @p1 $0xffff, v18  }
0x21c: {  	v60 =	vadd.s32 v2, v13;
	v18 =	vadd.s32 @p1 v3, v28;
	v11 =	vld.idx.msk @p1 [tilespmem:v11+s3+$0x0], $0xffff;
	[tilespmem:v22+s1+$0x0] =	vst.idx.msk $0xffff, v21  }
0x21d: {  	v5 =	vadd.s32 v3, v5;
	v19 =	vadd.s32 @p1 v3, v32;
	v61 =	vld.idx.msk [tilespmem:v20+s3+$0x0], $0xffff;
	[tilespmem:v58+s1+$0x0] =	vst.idx.msk $0xffff, v8  }
0x21e: {  	[tilespmem:v17+s1+$0x0] =	vst.idx.msk @p1 $0xffff, v23;
	v17 =	vpsel p1, v19, v0  }
0x21f: {  	v6 =	vadd.s32 v3, v6;
	v10 =	vld.idx.msk [tilespmem:v10+s3+$0x0], $0xffff;
	[tilespmem:v57+s1+$0x0] =	vst.idx.msk $0xffff, v56  }
0x220: {  	v4 =	vadd.s32 v3, v4;
	[tilespmem:v24+s1+$0x0] =	vst.idx.msk $0xffff, v59;
	v62 =	vld.idx.msk [tilespmem:v55+s3+$0x0], $0xffff  }
0x221: {  	v7 =	vadd.s32 v3, v7;
	[tilespmem:v18+s1+$0x0] =	vst.idx.msk @p1 $0xffff, v14;
	v63 =	vld.idx.msk [tilespmem:v60+s3+$0x0], $0xffff  }
0x222: {  	v11 =	vpsel p1, v11, v0;
	[tilespmem:v5+s1+$0x0] =	vst.idx.msk $0xffff, v61  }
0x223: {  	s7 =	sshll.u32 s23, $0x11;
	[tilespmem:v17+s1+$0x0] =	vst.idx.msk @p1 $0xffff, v11  }
0x224: {  	s7 =	sor.u32 s6, s7;
	[tilespmem:v6+s1+$0x0] =	vst.idx.msk $0xffff, v10  }
0x225: {  	s7 =	sshrl.u32 s7, $0x3;
	[tilespmem:v4+s1+$0x0] =	vst.idx.msk $0xffff, v62  }
0x226: {  	s17 =	sadd.s32 s2, s7;
	[tilespmem:v7+s1+$0x0] =	vst.idx.msk $0xffff, v63  }
0x227: {  	[hbm4b:s17+s3] =	stream.linear.scatter [tilespmem:s1], [sflag:$0x2], $0x80, $0x38;
	[tilespmem:$0x12240] =	vst v63  }
0x228: {  	s24 =	simm.s32 $0x111C8;
	s28 =	sadd.s32 $0x10, s17  }
0x229: {  	[hbm4b:s28+s3] =	stream.linear.scatter [tilespmem:s24], [sflag:$0x2], $0x80, $0x38;
	[tilespmem:$0x12240] =	vst v63  }
0x22a: {  	s30 =	simm.s32 $0x11250;
	s29 =	sadd.s32 $0x20, s17  }
0x22b: {  	[hbm4b:s29+s3] =	stream.linear.scatter [tilespmem:s30], [sflag:$0x2], $0x80, $0x38;
	[tilespmem:$0x12240] =	vst v63  }
0x22c: {  	s25 =	simm.s32 $0x112D8;
	s24 =	sadd.s32 $0x30, s17  }
0x22d: {  	[hbm4b:s24+s3] =	stream.linear.scatter [tilespmem:s25], [sflag:$0x2], $0x80, $0x38;
	[tilespmem:$0x12240] =	vst v63  }
0x22e: {  	s26 =	sadd.s32 $0x40, s17;
	s28 =	simm.s32 $0x11360  }
0x22f: {  	[hbm4b:s26+s3] =	stream.linear.scatter [tilespmem:s28], [sflag:$0x2], $0x80, $0x38;
	[tilespmem:$0x12240] =	vst v63  }
0x230: {  	s29 =	sadd.s32 $0x50, s17;
	s30 =	simm.s32 $0x113E8  }
0x231: {  	[hbm4b:s29+s3] =	stream.linear.scatter [tilespmem:s30], [sflag:$0x2], $0x80, $0x38;
	[tilespmem:$0x12240] =	vst v63  }
0x232: {  	s24 =	sadd.s32 $0x60, s17;
	s25 =	simm.s32 $0x11470  }
0x233: {  	[hbm4b:s24+s3] =	stream.linear.scatter [tilespmem:s25], [sflag:$0x2], $0x80, $0x38;
	[tilespmem:$0x12240] =	vst v63  }
0x234: {  	s17 =	sadd.s32 $0x70, s17;
	s26 =	simm.s32 $0x114F8  }
0x235: {  	[hbm4b:s17+s3] =	stream.linear.scatter [tilespmem:s26], [sflag:$0x2], $0x80, $0x38;
	[tilespmem:$0x12240] =	vst v63  }
0x236: {  	s28 =	simm.s32 $0x11580;
	s17 =	sadd.s32 s7, s8  }
0x237: {  	[hbm4b:s17+s3] =	stream.linear.scatter [tilespmem:s28], [sflag:$0x2], $0x80, $0x38;
	[tilespmem:$0x12240] =	vst v63  }
0x238: {  	s30 =	simm.s32 $0x11608;
	s29 =	sadd.s32 $0x10, s17  }
0x239: {  	[hbm4b:s29+s3] =	stream.linear.scatter [tilespmem:s30], [sflag:$0x2], $0x80, $0x38;
	[tilespmem:$0x12240] =	vst v63  }
0x23a: {  	s25 =	simm.s32 $0x11690;
	s24 =	sadd.s32 $0x20, s17  }
0x23b: {  	[hbm4b:s24+s3] =	stream.linear.scatter [tilespmem:s25], [sflag:$0x2], $0x80, $0x38;
	[tilespmem:$0x12240] =	vst v63  }
0x23c: {  	s26 =	sadd.s32 $0x30, s17;
	s28 =	simm.s32 $0x11718  }
0x23d: {  	[hbm4b:s26+s3] =	stream.linear.scatter [tilespmem:s28], [sflag:$0x2], $0x80, $0x38;
	[tilespmem:$0x12240] =	vst v63  }
0x23e: {  	s29 =	sadd.s32 $0x40, s17;
	s30 =	simm.s32 $0x117A0  }
0x23f: {  	[hbm4b:s29+s3] =	stream.linear.scatter [tilespmem:s30], [sflag:$0x2], $0x80, $0x38;
	[tilespmem:$0x12240] =	vst v63  }
0x240: {  	s24 =	sadd.s32 $0x50, s17;
	s25 =	simm.s32 $0x11828  }
0x241: {  	[hbm4b:s24+s3] =	stream.linear.scatter [tilespmem:s25], [sflag:$0x2], $0x80, $0x38;
	[tilespmem:$0x12240] =	vst v63  }
0x242: {  	s26 =	sadd.s32 $0x60, s17;
	s28 =	simm.s32 $0x118B0  }
0x243: {  	[hbm4b:s26+s3] =	stream.linear.scatter [tilespmem:s28], [sflag:$0x2], $0x80, $0x38;
	[tilespmem:$0x12240] =	vst v63  }
0x244: {  	s17 =	sadd.s32 $0x70, s17;
	s29 =	simm.s32 $0x11938  }
0x245: {  	[hbm4b:s17+s3] =	stream.linear.scatter [tilespmem:s29], [sflag:$0x2], $0x80, $0x38;
	[tilespmem:$0x12240] =	vst v63  }
0x246: {  	s30 =	simm.s32 $0x119C0;
	s17 =	sadd.s32 s7, s9  }
0x247: {  	[hbm4b:s17+s3] =	stream.linear.scatter [tilespmem:s30], [sflag:$0x2], $0x80, $0x38;
	[tilespmem:$0x12240] =	vst v63  }
0x248: {  	s25 =	simm.s32 $0x11A48;
	s24 =	sadd.s32 $0x10, s17  }
0x249: {  	[hbm4b:s24+s3] =	stream.linear.scatter [tilespmem:s25], [sflag:$0x2], $0x80, $0x38;
	[tilespmem:$0x12240] =	vst v63  }
0x24a: {  	s28 =	simm.s32 $0x11AD0;
	s26 =	sadd.s32 $0x20, s17  }
0x24b: {  	[hbm4b:s26+s3] =	stream.linear.scatter [tilespmem:s28], [sflag:$0x2], $0x80, $0x38;
	[tilespmem:$0x12240] =	vst v63  }
0x24c: {  	s29 =	sadd.s32 $0x30, s17;
	s30 =	simm.s32 $0x11B58  }
0x24d: {  	[hbm4b:s29+s3] =	stream.linear.scatter [tilespmem:s30], [sflag:$0x2], $0x80, $0x38;
	[tilespmem:$0x12240] =	vst v63  }
0x24e: {  	s25 =	sadd.s32 $0x40, s17;
	s26 =	simm.s32 $0x11BE0  }
0x24f: {  	[hbm4b:s25+s3] =	stream.linear.scatter [tilespmem:s26], [sflag:$0x2], $0x80, $0x38;
	[tilespmem:$0x12240] =	vst v63  }
0x250: {  	s28 =	sadd.s32 $0x50, s17;
	s29 =	simm.s32 $0x11C68  }
0x251: {  	[hbm4b:s28+s3] =	stream.linear.scatter [tilespmem:s29], [sflag:$0x2], $0x80, $0x38;
	[tilespmem:$0x12240] =	vst v63  }
0x252: {  	s30 =	sadd.s32 $0x60, s17  }
0x253: {  	[hbm4b:s30+s3] =	stream.linear.scatter [tilespmem:s31], [sflag:$0x2], $0x80, $0x38;
	[tilespmem:$0x12240] =	vst v63  }
0x254: {  	s17 =	sadd.s32 $0x70, s17  }
0x255: {  	[hbm4b:s17+s3] =	stream.linear.scatter [tilespmem:s0], [sflag:$0x2], $0x80, $0x38;
	[tilespmem:$0x12240] =	vst v63  }
0x256: {  	s7 =	sadd.s32 s7, s10  }
0x257: {  	[hbm4b:s7+s3] =	stream.linear.scatter [tilespmem:s19], [sflag:$0x2], $0x80, $0x38;
	[tilespmem:$0x12240] =	vst v63  }
0x258: {  	s24 =	sadd.s32 $0x10, s7  }
0x259: {  	[hbm4b:s24+s3] =	stream.linear.scatter [tilespmem:s20], [sflag:$0x2], $0x80, $0x38;
	[tilespmem:$0x12240] =	vst v63  }
0x25a: {  	s25 =	sadd.s32 $0x20, s7  }
0x25b: {  	[hbm4b:s25+s3] =	stream.linear.scatter [tilespmem:s21], [sflag:$0x2], $0x80, $0x38;
	[tilespmem:$0x12240] =	vst v63  }
0x25c: {  	s26 =	sadd.s32 $0x30, s7  }
0x25d: {  	[hbm4b:s26+s3] =	stream.linear.scatter [tilespmem:s5], [sflag:$0x2], $0x80, $0x38;
	[tilespmem:$0x12240] =	vst v63  }
0x25e: {  	s16 =	sadd.s32 $0x1, s16;
	s28 =	sadd.s32 $0x40, s7  }
0x25f: {  	[hbm4b:s28+s3] =	stream.linear.scatter [tilespmem:s18], [sflag:$0x2], $0x80, $0x38;
	[tilespmem:$0x12240] =	vst v63  }
0x260: {  	p0 =	sne.s32 s16, $0x64;
	s29 =	sadd.s32 $0x50, s7  }
0x261: {  	[hbm4b:s29+s3] =	stream.linear.scatter [tilespmem:s11], [sflag:$0x2], $0x80, $0x38;
	[tilespmem:$0x12240] =	vst v63  }
.Ltmp19:
0x262: {  	_ = 	snop;
	(pc) =	sbr.rel @p0 .LBB2_20-.Ltmp19, $4  }
.Ltmp20:
0x263: {  	s30 =	sadd.s32 $0x60, s7;
	(pc) =	sbr.rel @!p0 .LBB2_37-.Ltmp20, $4  }
0x264: {  	[hbm4b:s30+s3] =	stream.linear.scatter [tilespmem:s12], [sflag:$0x2], $0x80, $0x38;
	[tilespmem:$0x12240] =	vst v63  }
0x265: {  	s7 =	sadd.s32 $0x70, s7  }
0x266: {  	[hbm4b:s7+s3] =	stream.linear.scatter [tilespmem:s13], [sflag:$0x2], $0x80, $0x38;
	[tilespmem:$0x12240] =	vst v63  }
0x267: {  	_ = 	snop  }
.LBB2_21:
.Ltmp21:
0x268: {  	(pc) =	sbr.rel .LBB2_28-.Ltmp21, $2  }
0x269: {  	_ =	sdelay $0x2  }
0x26a: {  	v33 =	vmovc v7;
	v16 =	vmov v6;
	v31 =	vmov v5;
	v46 =	vmov v4;
	p3 =	por $0x0, $0x0  }
.LBB2_29:
.Ltmp22:
0x26b: {  	(pc) =	sbr.rel .LBB2_36-.Ltmp22, $2  }
0x26c: {  	_ =	sdelay $0x2  }
0x26d: {  	p1 =	por $0x0, $0x0  }
.LBB2_23:
.Ltmp23:
0x26e: {  	(pc) =	sbr.rel .LBB2_28-.Ltmp23, $2  }
0x26f: {  	_ =	sdelay $0x2  }
0x270: {  	v23 =	vmovc v17;
	v12 =	vmov v13;
	v17 =	vmov v21;
	v13 =	vmov v19;
	p3 =	por $0x0, $0x0  }
.LBB2_31:
.Ltmp24:
0x271: {  	(pc) =	sbr.rel .LBB2_36-.Ltmp24, $3  }
0x272: {  	_ =	sdelay $0x1  }
0x273: {  	v18 =	vmov v13  }
0x274: {  	v11 =	vmovc v10;
	v10 =	vmovc v14;
	v5 =	vmov v39;
	v4 =	vmov v38;
	v13 =	vmov v16  }
.LBB2_25:
.Ltmp25:
0x275: {  	(pc) =	sbr.rel .LBB2_28-.Ltmp25, $4  }
0x276: {  	_ = 	snop  }
0x277: {  	v43 =	vmov v23  }
0x278: {  	v23 =	vmovc v21;
	v12 =	vmovc v19;
	v31 =	vmov v37;
	v40 =	vmov v42;
	v44 =	vmov v32  }
0x279: {  	v35 =	vmovc v25;
	v45 =	vmovc v24;
	v41 =	vmov v36;
	v39 =	vmov v26;
	v46 =	vmov v28  }
.LBB2_33:
.Ltmp26:
0x27a: {  	(pc) =	sbr.rel .LBB2_36-.Ltmp26, $3  }
0x27b: {  	_ =	sdelay $0x1  }
0x27c: {  	v35 =	vmovc v18;
	v18 =	vmov v16;
	v11 =	vmov v14;
	v32 =	vmov v34  }
0x27d: {  	v36 =	vmovc v24;
	v28 =	vmovc v20;
	v37 =	vmov v19;
	v33 =	vmov v29;
	v31 =	vmov v22  }
.LBB2_4:
.Ltmp27:
0x27e: {  	(pc) =	sbr.rel .LBB2_11-.Ltmp27, $2  }
0x27f: {  	_ =	sdelay $0x2  }
0x280: {  	v12 =	vmovc v4;
	v13 =	vmov v5;
	v15 =	vmov v6;
	v33 =	vmov v7;
	p3 =	por $0x0, $0x0  }
.LBB2_12:
.Ltmp28:
0x281: {  	(pc) =	sbr.rel .LBB2_19-.Ltmp28, $2  }
0x282: {  	_ =	sdelay $0x2  }
0x283: {  	p1 =	por $0x0, $0x0  }
.LBB2_6:
.Ltmp29:
0x284: {  	(pc) =	sbr.rel .LBB2_11-.Ltmp29, $3  }
0x285: {  	_ =	sdelay $0x1  }
0x286: {  	v25 =	vmov v18  }
0x287: {  	v42 =	vmovc v4;
	v43 =	vmovc v5;
	v41 =	vmov v6;
	v18 =	vmov v24;
	v17 =	vmov v40;
	p3 =	por $0x0, $0x0  }
.LBB2_14:
.Ltmp30:
0x288: {  	(pc) =	sbr.rel .LBB2_19-.Ltmp30, $3  }
0x289: {  	_ =	sdelay $0x1  }
0x28a: {  	v34 =	vmovc v4;
	v35 =	vmov v10;
	v36 =	vmov v5;
	v21 =	vmov v6  }
0x28b: {  	v4 =	vmovc v12;
	v5 =	vmovc v14;
	v6 =	vmov v15;
	v10 =	vmov v20;
	v11 =	vmov v33  }
.LBB2_8:
.Ltmp31:
0x28c: {  	(pc) =	sbr.rel .LBB2_11-.Ltmp31, $3  }
0x28d: {  	_ =	sdelay $0x1  }
0x28e: {  	v42 =	vmovc v12;
	v43 =	vmovc v13;
	v41 =	vmov v15;
	v38 =	vmov v25;
	v25 =	vmov v24  }
0x28f: {  	v12 =	vmovc v28;
	v13 =	vmovc v36;
	v15 =	vmov v37;
	v39 =	vmov v34;
	v37 =	vmov v23  }
.LBB2_16:
.Ltmp32:
0x290: {  	(pc) =	sbr.rel .LBB2_19-.Ltmp32, $3  }
0x291: {  	_ =	sdelay $0x1  }
0x292: {  	v32 =	vmov v21;
	v34 =	vmov v12  }
0x293: {  	v35 =	vmovc v20;
	v36 =	vmovc v14;
	v21 =	vmov v15;
	v31 =	vmov v28;
	v30 =	vmov v19  }
.LBB2_38:
0x294: {  	_ =	sfence.sel $0x180000  }
0x295: {  	[bflag:$0x0] =	sbarrier.arrive $0xFFFF  }
0x296: {  	_ =	strace $0x90000047  }
0x297: {  	s0 =	stileid.u32;
	[bflag:$0x2] =	sbarrier.arrive $0xFFFF  }
0x298: {  	p0 =	sne.s32 s0, $0x0;
	s0 =	rddreg [dreg:$0x2]  }
0x299: {  	s0 =	sadd.s32 @!p0 $0x100000, s0  }
0x29a: {  	[sflag:s0] =	ssyncadd.tile.s32 @!p0 $0x1;
	_ =	shalt  }
.Lfunc_end2:
_tile_overlayer_lowered:
.L_overlay_start_2:
0x29b: {  	(tag) =	ssettag $0x2  }
0x29c: {  	s0 =	rddreg [dreg:$0x0];
	s2 =	stileid.u32  }
0x29d: {  	s1 =	rddreg [dreg:$0x1];
	p0 =	sne.s32 s2, $0x0  }
0x29e: {  	s3 =	rddreg [dreg:$0x2];
	[bflag:$0x3] =	sbarrier.arrive $0xFFFF;
	s2 =	simm.s32 @!p0 $0x1C03  }
0x29f: {  	[timem:s3], [sflag:s2] =	dma.local @!p0 [hbm:s0], s1  }
0x2a0: {  	s0 =	simm.s32 @!p0 $0x3  }
0x2a1: {  	_ =	swait.ge @!p0 [sflag:s0], s1  }
0x2a2: {  	s1 =	ssub.s32 @!p0 $0x0, s1;
	[sflag:s0] =	ssyncset.done @!p0 $0x0  }
0x2a3: {  	[sflag:s0] =	ssyncadd.s32 @!p0 s1  }
0x2a4: {  	[bflag:$0x3] =	sbarrier.arrive $0xFFFF  }
0x2a5: {  	_ =	shalt  }

</sc_bundles>
